<compile_context>
chip_gen: v7x
topology: tpu7x:2x2x1
jax: 0.10.2.dev20260603
libtpu: 0.0.44.dev20260713+nightly
codegen_flags: <defaults>
</compile_context>

<pallas_src>
import functools

import jax
import jax.numpy as jnp
from jax import lax
from jax.experimental import pallas as pl
from jax.experimental.pallas import tpu as pltpu
from jax.experimental.pallas import tpu_sc as plsc

_NC = 2
_NS = 16
_NW = _NC * _NS
_C = 16
_NBUF = 3
_SKEW = 2


@functools.lru_cache(maxsize=None)
def _make_sc_gather(B, V, D):
    b_per_w = B // _NW
    nchunk = b_per_w // _C
    assert b_per_w % _C == 0
    nslot = nchunk + _SKEW
    niter = -(-nslot // _NBUF)
    mesh = plsc.VectorSubcoreMesh(core_axis_name="c", subcore_axis_name="s")

    @functools.partial(
        pl.kernel,
        out_type=jax.ShapeDtypeStruct((B, D), jnp.float32),
        mesh=mesh,
        scratch_types=[
            pltpu.VMEM((nchunk, _C), jnp.int32),
            pltpu.VMEM((_NBUF, _C, D), jnp.float32),
            pltpu.SemaphoreType.DMA((_NBUF,)),
            pltpu.SemaphoreType.DMA((_NBUF,)),
        ],
    )
    def sc_gather(idx_hbm, table_hbm, out_hbm, idx_v, bufs, gsems, wsems):
        wid = lax.axis_index("s") * _NC + lax.axis_index("c")
        base = wid * b_per_w
        pltpu.sync_copy(idx_hbm.at[wid], idx_v)

        def step(i, carry):
            for b in range(_NBUF):
                g = i * _NBUF + b
                bw = (b + _NBUF - _SKEW) % _NBUF

                @pl.when(jnp.logical_and(g >= _SKEW, g < nchunk + _SKEW))
                def _write():
                    wg = g - _SKEW
                    pltpu.make_async_copy(
                        table_hbm.at[idx_v.at[wg]], bufs.at[bw], gsems.at[bw]
                    ).wait()
                    pltpu.async_copy(
                        bufs.at[bw],
                        out_hbm.at[pl.ds(base + wg * _C, _C)],
                        wsems.at[bw],
                    )

                @pl.when(g < nchunk)
                def _gather():
                    @pl.when(g >= _NBUF)
                    def _drain():
                        pg = g - _NBUF
                        pltpu.make_async_copy(
                            bufs.at[b],
                            out_hbm.at[pl.ds(base + pg * _C, _C)],
                            wsems.at[b],
                        ).wait()

                    pltpu.async_copy(
                        table_hbm.at[idx_v.at[g]], bufs.at[b], gsems.at[b]
                    )

            return carry

        lax.fori_loop(0, niter, step, 0)

    return sc_gather


def kernel(input_ids, weight):
    B = input_ids.shape[0] * input_ids.shape[1]
    V, D = weight.shape
    idx = input_ids.reshape(_NW, B // (_NW * _C), _C)
    out = _make_sc_gather(B, V, D)(idx, weight)
    return out.reshape(input_ids.shape[0], input_ids.shape[1], D)

# --- scband reference (transcript-rebuilt; emitter-appended) ---
"""Pipeline reference for scband-mock-embedding-81570018885990 (READ-ONLY COPY).

The authoritative reference and input builder live on the scoring server;
editing this copy changes nothing except your own understanding.
"""

import jax, jax.numpy as jnp
import numpy as np

VOCAB = 92547
DIM = 2048


def setup_inputs(seed: int = 0) -> dict:
    key = jax.random.key(seed)
    k1, k2 = jax.random.split(key)
    input_ids = jax.random.randint(k1, (1024, 50), 0, VOCAB, dtype=jnp.int32)
    weight = jax.random.normal(k2, (VOCAB, DIM), dtype=jnp.float32)
    return {"input_ids": input_ids, "weight": weight}


def reference(input_ids, weight):
    # Faithful translation of: return self.weight[input_ids]
    return jnp.take(weight, input_ids, axis=0)

if __name__ == "__main__":
    import jax
    _d = setup_inputs()
    print(jax.jit(kernel)(*tuple(_d.values())))

</pallas_src>

<mosaic_0001>
#map = affine_map<(d0, d1) -> (0, 0, 0)>
#map1 = affine_map<(d0, d1) -> (0, 0)>
module attributes {stable_mosaic.version = 14 : i64} {
  func.func @sc_gather(%arg0: i32, %arg1: i32, %arg2: memref<32x100x16xi32, #tpu.memory_space<hbm>>, %arg3: memref<92547x2048xf32, #tpu.memory_space<hbm>>, %arg4: memref<51200x2048xf32, #tpu.memory_space<hbm>>, %arg5: memref<100x16xi32, #tpu.memory_space<vmem>>, %arg6: memref<3x16x2048xf32, #tpu.memory_space<vmem>>, %arg7: memref<3x!tpu.dma_semaphore, #tpu.memory_space<semaphore_mem>>, %arg8: memref<3x!tpu.dma_semaphore, #tpu.memory_space<semaphore_mem>>) attributes {dimension_semantics = [#tpu.dimension_semantics<core_parallel>, #tpu.dimension_semantics<subcore_parallel>], iteration_bounds = array<i64: 2, 16>, scalar_prefetch = 0 : i64, scratch_operands = 4 : i64, tpu.core_type = #tpu.core_type<sc_vector_subcore>, window_params = [{transform_indices = #map}, {transform_indices = #map1}, {transform_indices = #map1}]} {
    %mul3A = arith.constant 2 : i32
    %mul3A_0 = arith.muli %arg1, %mul3A : i32
    %add3A = arith.addi %mul3A_0, %arg0 : i32
    %mul3A_1 = arith.constant 1600 : i32
    %mul3A_2 = arith.muli %add3A, %mul3A_1 : i32
    "tpu.region"() ({
      %run_scoped3A = tpu.sem_alloc : memref<!tpu.dma_semaphore, #tpu.memory_space<semaphore_mem>>
      %dma_start3A = arith.constant 0 : i32
      %dma_start3A_8 = arith.constant 0 : i32
      %dma_start3A_9 = tpu.memref_slice %arg2[%add3A, %dma_start3A, %dma_start3A_8] : memref<32x100x16xi32, #tpu.memory_space<hbm>> -> memref<1x100x16xi32, #tpu.memory_space<hbm>>
      %dma_start3A_10 = tpu.memref_squeeze %dma_start3A_9 : memref<1x100x16xi32, #tpu.memory_space<hbm>> -> memref<100x16xi32, #tpu.memory_space<hbm>>
      %dma_start3A_11 = arith.constant 0 : i32
      %dma_start3A_12 = arith.constant 0 : i32
      %dma_start3A_13 = tpu.memref_slice %arg2[%add3A, %dma_start3A_11, %dma_start3A_12] : memref<32x100x16xi32, #tpu.memory_space<hbm>> -> memref<1x100x16xi32, #tpu.memory_space<hbm>>
      %dma_start3A_14 = tpu.memref_squeeze %dma_start3A_13 : memref<1x100x16xi32, #tpu.memory_space<hbm>> -> memref<100x16xi32, #tpu.memory_space<hbm>>
      tpu.enqueue_dma source(%dma_start3A_14 : memref<100x16xi32, #tpu.memory_space<hbm>>) target(%arg5 : memref<100x16xi32, #tpu.memory_space<vmem>>) target_semaphore(%run_scoped3A : memref<!tpu.dma_semaphore, #tpu.memory_space<semaphore_mem>>)
      %dma_wait3A = arith.constant 0 : i32
      %dma_wait3A_15 = arith.constant 0 : i32
      %dma_wait3A_16 = tpu.memref_slice %arg2[%add3A, %dma_wait3A, %dma_wait3A_15] : memref<32x100x16xi32, #tpu.memory_space<hbm>> -> memref<1x100x16xi32, #tpu.memory_space<hbm>>
      %dma_wait3A_17 = tpu.memref_squeeze %dma_wait3A_16 : memref<1x100x16xi32, #tpu.memory_space<hbm>> -> memref<100x16xi32, #tpu.memory_space<hbm>>
      %dma_wait3A_18 = arith.constant 0 : i32
      %dma_wait3A_19 = arith.constant 0 : i32
      %dma_wait3A_20 = tpu.memref_slice %arg2[%add3A, %dma_wait3A_18, %dma_wait3A_19] : memref<32x100x16xi32, #tpu.memory_space<hbm>> -> memref<1x100x16xi32, #tpu.memory_space<hbm>>
      %dma_wait3A_21 = tpu.memref_squeeze %dma_wait3A_20 : memref<1x100x16xi32, #tpu.memory_space<hbm>> -> memref<100x16xi32, #tpu.memory_space<hbm>>
      tpu.wait_dma2 semaphore(%run_scoped3A : memref<!tpu.dma_semaphore, #tpu.memory_space<semaphore_mem>>) src(%dma_wait3A_21 : memref<100x16xi32, #tpu.memory_space<hbm>>) dst(%arg5 : memref<100x16xi32, #tpu.memory_space<vmem>>)
      tpu.yield
    }) : () -> ()
    %scan3A = arith.constant 0 : i32
    %scan3A_3 = arith.constant 0 : i32
    %scan3A_4 = arith.constant 34 : i32
    %scan3A_5 = arith.addi %scan3A_3, %scan3A_4 : i32
    %scan3A_6 = arith.constant 1 : i32
    scf.for %scan3A_8 = %scan3A_3 to %scan3A_5 step %scan3A_6  : i32 {
      %mul3A_9 = arith.constant 3 : i32
      %mul3A_10 = arith.muli %scan3A_8, %mul3A_9 : i32
      %add3A_11 = arith.constant 0 : i32
      %add3A_12 = arith.addi %mul3A_10, %add3A_11 : i32
      %ge3A = arith.constant 2 : i32
      %ge3A_13 = arith.cmpi sge, %add3A_12, %ge3A : i32
      %lt3A = arith.constant 102 : i32
      %lt3A_14 = arith.cmpi slt, %add3A_12, %lt3A : i32
      %and3A = arith.andi %ge3A_13, %lt3A_14 : i1
      %convert_element_type3A = arith.extui %and3A : i1 to i32
      %cond3A = arith.constant 0 : i32
      %cond3A_15 = arith.cmpi ne, %convert_element_type3A, %cond3A : i32
      scf.if %cond3A_15 {
        %sub3A = arith.constant 2 : i32
        %sub3A_55 = arith.subi %add3A_12, %sub3A : i32
        %dma_wait3A = arith.constant 1 : i32
        %dma_wait3A_56 = arith.constant 1 : i32
        %dma_wait3A_57 = arith.constant 0 : i32
        %dma_wait3A_58 = arith.constant 0 : i32
        %dma_wait3A_59 = tpu.memref_slice %arg6[%dma_wait3A, %dma_wait3A_57, %dma_wait3A_58] : memref<3x16x2048xf32, #tpu.memory_space<vmem>> -> memref<1x16x2048xf32, #tpu.memory_space<vmem>>
        %dma_wait3A_60 = tpu.memref_squeeze %dma_wait3A_59 : memref<1x16x2048xf32, #tpu.memory_space<vmem>> -> memref<16x2048xf32, #tpu.memory_space<vmem>>
        %dma_wait3A_61 = arith.constant 0 : i32
        %dma_wait3A_62 = tpu.memref_slice %arg5[%sub3A_55, %dma_wait3A_61] : memref<100x16xi32, #tpu.memory_space<vmem>> -> memref<1x16xi32, #tpu.memory_space<vmem>>
        %dma_wait3A_63 = tpu.memref_squeeze %dma_wait3A_62 : memref<1x16xi32, #tpu.memory_space<vmem>> -> memref<16xi32, #tpu.memory_space<vmem>>
        %dma_wait3A_64 = arith.constant 0 : i32
        %dma_wait3A_65 = arith.constant 0 : i32
        %dma_wait3A_66 = tpu.memref_slice %arg3[%dma_wait3A_64, %dma_wait3A_65] : memref<92547x2048xf32, #tpu.memory_space<hbm>> -> memref<92547x2048xf32, #tpu.memory_space<hbm>>
        %dma_wait3A_67 = tpu.memref_slice %arg7[%dma_wait3A_56] : memref<3x!tpu.dma_semaphore, #tpu.memory_space<semaphore_mem>> -> memref<1x!tpu.dma_semaphore, #tpu.memory_space<semaphore_mem>>
        %dma_wait3A_68 = tpu.memref_squeeze %dma_wait3A_67 : memref<1x!tpu.dma_semaphore, #tpu.memory_space<semaphore_mem>> -> memref<!tpu.dma_semaphore, #tpu.memory_space<semaphore_mem>>
        tpu.wait_indirect_dma semaphore(%dma_wait3A_68 : memref<!tpu.dma_semaphore, #tpu.memory_space<semaphore_mem>>) src(%dma_wait3A_66 : memref<92547x2048xf32, #tpu.memory_space<hbm>>) dst(%dma_wait3A_60 : memref<16x2048xf32, #tpu.memory_space<vmem>>)
        %mul3A_69 = arith.constant 16 : i32
        %mul3A_70 = arith.muli %sub3A_55, %mul3A_69 : i32
        %add3A_71 = arith.addi %mul3A_2, %mul3A_70 : i32
        %dma_start3A = arith.constant 1 : i32
        %dma_start3A_72 = arith.constant 1 : i32
        %dma_start3A_73 = arith.constant 0 : i32
        %dma_start3A_74 = arith.constant 0 : i32
        %dma_start3A_75 = tpu.memref_slice %arg6[%dma_start3A, %dma_start3A_73, %dma_start3A_74] : memref<3x16x2048xf32, #tpu.memory_space<vmem>> -> memref<1x16x2048xf32, #tpu.memory_space<vmem>>
        %dma_start3A_76 = tpu.memref_squeeze %dma_start3A_75 : memref<1x16x2048xf32, #tpu.memory_space<vmem>> -> memref<16x2048xf32, #tpu.memory_space<vmem>>
        %dma_start3A_77 = arith.constant 0 : i32
        %dma_start3A_78 = tpu.memref_slice %arg4[%add3A_71, %dma_start3A_77] : memref<51200x2048xf32, #tpu.memory_space<hbm>> -> memref<16x2048xf32, #tpu.memory_space<hbm>>
        %dma_start3A_79 = tpu.memref_slice %arg8[%dma_start3A_72] : memref<3x!tpu.dma_semaphore, #tpu.memory_space<semaphore_mem>> -> memref<1x!tpu.dma_semaphore, #tpu.memory_space<semaphore_mem>>
        %dma_start3A_80 = tpu.memref_squeeze %dma_start3A_79 : memref<1x!tpu.dma_semaphore, #tpu.memory_space<semaphore_mem>> -> memref<!tpu.dma_semaphore, #tpu.memory_space<semaphore_mem>>
        %dma_start3A_81 = arith.constant 0 : i32
        %dma_start3A_82 = tpu.memref_slice %arg4[%add3A_71, %dma_start3A_81] : memref<51200x2048xf32, #tpu.memory_space<hbm>> -> memref<16x2048xf32, #tpu.memory_space<hbm>>
        %dma_start3A_83 = arith.constant 0 : i32
        %dma_start3A_84 = arith.constant 0 : i32
        %dma_start3A_85 = tpu.memref_slice %arg6[%dma_start3A, %dma_start3A_83, %dma_start3A_84] : memref<3x16x2048xf32, #tpu.memory_space<vmem>> -> memref<1x16x2048xf32, #tpu.memory_space<vmem>>
        %dma_start3A_86 = tpu.memref_squeeze %dma_start3A_85 : memref<1x16x2048xf32, #tpu.memory_space<vmem>> -> memref<16x2048xf32, #tpu.memory_space<vmem>>
        tpu.enqueue_dma source(%dma_start3A_86 : memref<16x2048xf32, #tpu.memory_space<vmem>>) target(%dma_start3A_82 : memref<16x2048xf32, #tpu.memory_space<hbm>>) target_semaphore(%dma_start3A_80 : memref<!tpu.dma_semaphore, #tpu.memory_space<semaphore_mem>>)
      } else {
      }
      %lt3A_16 = arith.constant 100 : i32
      %lt3A_17 = arith.cmpi slt, %add3A_12, %lt3A_16 : i32
      %convert_element_type3A_18 = arith.extui %lt3A_17 : i1 to i32
      %cond3A_19 = arith.constant 0 : i32
      %cond3A_20 = arith.cmpi ne, %convert_element_type3A_18, %cond3A_19 : i32
      scf.if %cond3A_20 {
        %ge3A_55 = arith.constant 3 : i32
        %ge3A_56 = arith.cmpi sge, %add3A_12, %ge3A_55 : i32
        %convert_element_type3A_57 = arith.extui %ge3A_56 : i1 to i32
        %cond3A_58 = arith.constant 0 : i32
        %cond3A_59 = arith.cmpi ne, %convert_element_type3A_57, %cond3A_58 : i32
        scf.if %cond3A_59 {
          %sub3A = arith.constant 3 : i32
          %sub3A_73 = arith.subi %add3A_12, %sub3A : i32
          %mul3A_74 = arith.constant 16 : i32
          %mul3A_75 = arith.muli %sub3A_73, %mul3A_74 : i32
          %add3A_76 = arith.addi %mul3A_2, %mul3A_75 : i32
          %dma_wait3A = arith.constant 0 : i32
          %dma_wait3A_77 = arith.constant 0 : i32
          %dma_wait3A_78 = arith.constant 0 : i32
          %dma_wait3A_79 = arith.constant 0 : i32
          %dma_wait3A_80 = tpu.memref_slice %arg6[%dma_wait3A, %dma_wait3A_78, %dma_wait3A_79] : memref<3x16x2048xf32, #tpu.memory_space<vmem>> -> memref<1x16x2048xf32, #tpu.memory_space<vmem>>
          %dma_wait3A_81 = tpu.memref_squeeze %dma_wait3A_80 : memref<1x16x2048xf32, #tpu.memory_space<vmem>> -> memref<16x2048xf32, #tpu.memory_space<vmem>>
          %dma_wait3A_82 = arith.constant 0 : i32
          %dma_wait3A_83 = tpu.memref_slice %arg4[%add3A_76, %dma_wait3A_82] : memref<51200x2048xf32, #tpu.memory_space<hbm>> -> memref<16x2048xf32, #tpu.memory_space<hbm>>
          %dma_wait3A_84 = tpu.memref_slice %arg8[%dma_wait3A_77] : memref<3x!tpu.dma_semaphore, #tpu.memory_space<semaphore_mem>> -> memref<1x!tpu.dma_semaphore, #tpu.memory_space<semaphore_mem>>
          %dma_wait3A_85 = tpu.memref_squeeze %dma_wait3A_84 : memref<1x!tpu.dma_semaphore, #tpu.memory_space<semaphore_mem>> -> memref<!tpu.dma_semaphore, #tpu.memory_space<semaphore_mem>>
          %dma_wait3A_86 = arith.constant 0 : i32
          %dma_wait3A_87 = tpu.memref_slice %arg4[%add3A_76, %dma_wait3A_86] : memref<51200x2048xf32, #tpu.memory_space<hbm>> -> memref<16x2048xf32, #tpu.memory_space<hbm>>
          %dma_wait3A_88 = arith.constant 0 : i32
          %dma_wait3A_89 = arith.constant 0 : i32
          %dma_wait3A_90 = tpu.memref_slice %arg6[%dma_wait3A, %dma_wait3A_88, %dma_wait3A_89] : memref<3x16x2048xf32, #tpu.memory_space<vmem>> -> memref<1x16x2048xf32, #tpu.memory_space<vmem>>
          %dma_wait3A_91 = tpu.memref_squeeze %dma_wait3A_90 : memref<1x16x2048xf32, #tpu.memory_space<vmem>> -> memref<16x2048xf32, #tpu.memory_space<vmem>>
          tpu.wait_dma2 semaphore(%dma_wait3A_85 : memref<!tpu.dma_semaphore, #tpu.memory_space<semaphore_mem>>) src(%dma_wait3A_91 : memref<16x2048xf32, #tpu.memory_space<vmem>>) dst(%dma_wait3A_87 : memref<16x2048xf32, #tpu.memory_space<hbm>>)
        } else {
        }
        %dma_start3A = arith.constant 0 : i32
        %dma_start3A_60 = arith.constant 0 : i32
        %dma_start3A_61 = arith.constant 0 : i32
        %dma_start3A_62 = arith.constant 0 : i32
        %dma_start3A_63 = tpu.memref_slice %arg6[%dma_start3A, %dma_start3A_61, %dma_start3A_62] : memref<3x16x2048xf32, #tpu.memory_space<vmem>> -> memref<1x16x2048xf32, #tpu.memory_space<vmem>>
        %dma_start3A_64 = tpu.memref_squeeze %dma_start3A_63 : memref<1x16x2048xf32, #tpu.memory_space<vmem>> -> memref<16x2048xf32, #tpu.memory_space<vmem>>
        %dma_start3A_65 = arith.constant 0 : i32
        %dma_start3A_66 = tpu.memref_slice %arg5[%add3A_12, %dma_start3A_65] : memref<100x16xi32, #tpu.memory_space<vmem>> -> memref<1x16xi32, #tpu.memory_space<vmem>>
        %dma_start3A_67 = tpu.memref_squeeze %dma_start3A_66 : memref<1x16xi32, #tpu.memory_space<vmem>> -> memref<16xi32, #tpu.memory_space<vmem>>
        %dma_start3A_68 = arith.constant 0 : i32
        %dma_start3A_69 = arith.constant 0 : i32
        %dma_start3A_70 = tpu.memref_slice %arg3[%dma_start3A_68, %dma_start3A_69] : memref<92547x2048xf32, #tpu.memory_space<hbm>> -> memref<92547x2048xf32, #tpu.memory_space<hbm>>
        %dma_start3A_71 = tpu.memref_slice %arg7[%dma_start3A_60] : memref<3x!tpu.dma_semaphore, #tpu.memory_space<semaphore_mem>> -> memref<1x!tpu.dma_semaphore, #tpu.memory_space<semaphore_mem>>
        %dma_start3A_72 = tpu.memref_squeeze %dma_start3A_71 : memref<1x!tpu.dma_semaphore, #tpu.memory_space<semaphore_mem>> -> memref<!tpu.dma_semaphore, #tpu.memory_space<semaphore_mem>>
        tpu.enqueue_indirect_dma source(%dma_start3A_70 : memref<92547x2048xf32, #tpu.memory_space<hbm>>) target(%dma_start3A_64 : memref<16x2048xf32, #tpu.memory_space<vmem>>) offsets(%dma_start3A_67 : memref<16xi32, #tpu.memory_space<vmem>>) semaphore(%dma_start3A_72 : memref<!tpu.dma_semaphore, #tpu.memory_space<semaphore_mem>>)
      } else {
      }
      %mul3A_21 = arith.constant 3 : i32
      %mul3A_22 = arith.muli %scan3A_8, %mul3A_21 : i32
      %add3A_23 = arith.constant 1 : i32
      %add3A_24 = arith.addi %mul3A_22, %add3A_23 : i32
      %ge3A_25 = arith.constant 2 : i32
      %ge3A_26 = arith.cmpi sge, %add3A_24, %ge3A_25 : i32
      %lt3A_27 = arith.constant 102 : i32
      %lt3A_28 = arith.cmpi slt, %add3A_24, %lt3A_27 : i32
      %and3A_29 = arith.andi %ge3A_26, %lt3A_28 : i1
      %convert_element_type3A_30 = arith.extui %and3A_29 : i1 to i32
      %cond3A_31 = arith.constant 0 : i32
      %cond3A_32 = arith.cmpi ne, %convert_element_type3A_30, %cond3A_31 : i32
      scf.if %cond3A_32 {
        %sub3A = arith.constant 2 : i32
        %sub3A_55 = arith.subi %add3A_24, %sub3A : i32
        %dma_wait3A = arith.constant 2 : i32
        %dma_wait3A_56 = arith.constant 2 : i32
        %dma_wait3A_57 = arith.constant 0 : i32
        %dma_wait3A_58 = arith.constant 0 : i32
        %dma_wait3A_59 = tpu.memref_slice %arg6[%dma_wait3A, %dma_wait3A_57, %dma_wait3A_58] : memref<3x16x2048xf32, #tpu.memory_space<vmem>> -> memref<1x16x2048xf32, #tpu.memory_space<vmem>>
        %dma_wait3A_60 = tpu.memref_squeeze %dma_wait3A_59 : memref<1x16x2048xf32, #tpu.memory_space<vmem>> -> memref<16x2048xf32, #tpu.memory_space<vmem>>
        %dma_wait3A_61 = arith.constant 0 : i32
        %dma_wait3A_62 = tpu.memref_slice %arg5[%sub3A_55, %dma_wait3A_61] : memref<100x16xi32, #tpu.memory_space<vmem>> -> memref<1x16xi32, #tpu.memory_space<vmem>>
        %dma_wait3A_63 = tpu.memref_squeeze %dma_wait3A_62 : memref<1x16xi32, #tpu.memory_space<vmem>> -> memref<16xi32, #tpu.memory_space<vmem>>
        %dma_wait3A_64 = arith.constant 0 : i32
        %dma_wait3A_65 = arith.constant 0 : i32
        %dma_wait3A_66 = tpu.memref_slice %arg3[%dma_wait3A_64, %dma_wait3A_65] : memref<92547x2048xf32, #tpu.memory_space<hbm>> -> memref<92547x2048xf32, #tpu.memory_space<hbm>>
        %dma_wait3A_67 = tpu.memref_slice %arg7[%dma_wait3A_56] : memref<3x!tpu.dma_semaphore, #tpu.memory_space<semaphore_mem>> -> memref<1x!tpu.dma_semaphore, #tpu.memory_space<semaphore_mem>>
        %dma_wait3A_68 = tpu.memref_squeeze %dma_wait3A_67 : memref<1x!tpu.dma_semaphore, #tpu.memory_space<semaphore_mem>> -> memref<!tpu.dma_semaphore, #tpu.memory_space<semaphore_mem>>
        tpu.wait_indirect_dma semaphore(%dma_wait3A_68 : memref<!tpu.dma_semaphore, #tpu.memory_space<semaphore_mem>>) src(%dma_wait3A_66 : memref<92547x2048xf32, #tpu.memory_space<hbm>>) dst(%dma_wait3A_60 : memref<16x2048xf32, #tpu.memory_space<vmem>>)
        %mul3A_69 = arith.constant 16 : i32
        %mul3A_70 = arith.muli %sub3A_55, %mul3A_69 : i32
        %add3A_71 = arith.addi %mul3A_2, %mul3A_70 : i32
        %dma_start3A = arith.constant 2 : i32
        %dma_start3A_72 = arith.constant 2 : i32
        %dma_start3A_73 = arith.constant 0 : i32
        %dma_start3A_74 = arith.constant 0 : i32
        %dma_start3A_75 = tpu.memref_slice %arg6[%dma_start3A, %dma_start3A_73, %dma_start3A_74] : memref<3x16x2048xf32, #tpu.memory_space<vmem>> -> memref<1x16x2048xf32, #tpu.memory_space<vmem>>
        %dma_start3A_76 = tpu.memref_squeeze %dma_start3A_75 : memref<1x16x2048xf32, #tpu.memory_space<vmem>> -> memref<16x2048xf32, #tpu.memory_space<vmem>>
        %dma_start3A_77 = arith.constant 0 : i32
        %dma_start3A_78 = tpu.memref_slice %arg4[%add3A_71, %dma_start3A_77] : memref<51200x2048xf32, #tpu.memory_space<hbm>> -> memref<16x2048xf32, #tpu.memory_space<hbm>>
        %dma_start3A_79 = tpu.memref_slice %arg8[%dma_start3A_72] : memref<3x!tpu.dma_semaphore, #tpu.memory_space<semaphore_mem>> -> memref<1x!tpu.dma_semaphore, #tpu.memory_space<semaphore_mem>>
        %dma_start3A_80 = tpu.memref_squeeze %dma_start3A_79 : memref<1x!tpu.dma_semaphore, #tpu.memory_space<semaphore_mem>> -> memref<!tpu.dma_semaphore, #tpu.memory_space<semaphore_mem>>
        %dma_start3A_81 = arith.constant 0 : i32
        %dma_start3A_82 = tpu.memref_slice %arg4[%add3A_71, %dma_start3A_81] : memref<51200x2048xf32, #tpu.memory_space<hbm>> -> memref<16x2048xf32, #tpu.memory_space<hbm>>
        %dma_start3A_83 = arith.constant 0 : i32
        %dma_start3A_84 = arith.constant 0 : i32
        %dma_start3A_85 = tpu.memref_slice %arg6[%dma_start3A, %dma_start3A_83, %dma_start3A_84] : memref<3x16x2048xf32, #tpu.memory_space<vmem>> -> memref<1x16x2048xf32, #tpu.memory_space<vmem>>
        %dma_start3A_86 = tpu.memref_squeeze %dma_start3A_85 : memref<1x16x2048xf32, #tpu.memory_space<vmem>> -> memref<16x2048xf32, #tpu.memory_space<vmem>>
        tpu.enqueue_dma source(%dma_start3A_86 : memref<16x2048xf32, #tpu.memory_space<vmem>>) target(%dma_start3A_82 : memref<16x2048xf32, #tpu.memory_space<hbm>>) target_semaphore(%dma_start3A_80 : memref<!tpu.dma_semaphore, #tpu.memory_space<semaphore_mem>>)
      } else {
      }
      %lt3A_33 = arith.constant 100 : i32
      %lt3A_34 = arith.cmpi slt, %add3A_24, %lt3A_33 : i32
      %convert_element_type3A_35 = arith.extui %lt3A_34 : i1 to i32
      %cond3A_36 = arith.constant 0 : i32
      %cond3A_37 = arith.cmpi ne, %convert_element_type3A_35, %cond3A_36 : i32
      scf.if %cond3A_37 {
        %ge3A_55 = arith.constant 3 : i32
        %ge3A_56 = arith.cmpi sge, %add3A_24, %ge3A_55 : i32
        %convert_element_type3A_57 = arith.extui %ge3A_56 : i1 to i32
        %cond3A_58 = arith.constant 0 : i32
        %cond3A_59 = arith.cmpi ne, %convert_element_type3A_57, %cond3A_58 : i32
        scf.if %cond3A_59 {
          %sub3A = arith.constant 3 : i32
          %sub3A_73 = arith.subi %add3A_24, %sub3A : i32
          %mul3A_74 = arith.constant 16 : i32
          %mul3A_75 = arith.muli %sub3A_73, %mul3A_74 : i32
          %add3A_76 = arith.addi %mul3A_2, %mul3A_75 : i32
          %dma_wait3A = arith.constant 1 : i32
          %dma_wait3A_77 = arith.constant 1 : i32
          %dma_wait3A_78 = arith.constant 0 : i32
          %dma_wait3A_79 = arith.constant 0 : i32
          %dma_wait3A_80 = tpu.memref_slice %arg6[%dma_wait3A, %dma_wait3A_78, %dma_wait3A_79] : memref<3x16x2048xf32, #tpu.memory_space<vmem>> -> memref<1x16x2048xf32, #tpu.memory_space<vmem>>
          %dma_wait3A_81 = tpu.memref_squeeze %dma_wait3A_80 : memref<1x16x2048xf32, #tpu.memory_space<vmem>> -> memref<16x2048xf32, #tpu.memory_space<vmem>>
          %dma_wait3A_82 = arith.constant 0 : i32
          %dma_wait3A_83 = tpu.memref_slice %arg4[%add3A_76, %dma_wait3A_82] : memref<51200x2048xf32, #tpu.memory_space<hbm>> -> memref<16x2048xf32, #tpu.memory_space<hbm>>
          %dma_wait3A_84 = tpu.memref_slice %arg8[%dma_wait3A_77] : memref<3x!tpu.dma_semaphore, #tpu.memory_space<semaphore_mem>> -> memref<1x!tpu.dma_semaphore, #tpu.memory_space<semaphore_mem>>
          %dma_wait3A_85 = tpu.memref_squeeze %dma_wait3A_84 : memref<1x!tpu.dma_semaphore, #tpu.memory_space<semaphore_mem>> -> memref<!tpu.dma_semaphore, #tpu.memory_space<semaphore_mem>>
          %dma_wait3A_86 = arith.constant 0 : i32
          %dma_wait3A_87 = tpu.memref_slice %arg4[%add3A_76, %dma_wait3A_86] : memref<51200x2048xf32, #tpu.memory_space<hbm>> -> memref<16x2048xf32, #tpu.memory_space<hbm>>
          %dma_wait3A_88 = arith.constant 0 : i32
          %dma_wait3A_89 = arith.constant 0 : i32
          %dma_wait3A_90 = tpu.memref_slice %arg6[%dma_wait3A, %dma_wait3A_88, %dma_wait3A_89] : memref<3x16x2048xf32, #tpu.memory_space<vmem>> -> memref<1x16x2048xf32, #tpu.memory_space<vmem>>
          %dma_wait3A_91 = tpu.memref_squeeze %dma_wait3A_90 : memref<1x16x2048xf32, #tpu.memory_space<vmem>> -> memref<16x2048xf32, #tpu.memory_space<vmem>>
          tpu.wait_dma2 semaphore(%dma_wait3A_85 : memref<!tpu.dma_semaphore, #tpu.memory_space<semaphore_mem>>) src(%dma_wait3A_91 : memref<16x2048xf32, #tpu.memory_space<vmem>>) dst(%dma_wait3A_87 : memref<16x2048xf32, #tpu.memory_space<hbm>>)
        } else {
        }
        %dma_start3A = arith.constant 1 : i32
        %dma_start3A_60 = arith.constant 1 : i32
        %dma_start3A_61 = arith.constant 0 : i32
        %dma_start3A_62 = arith.constant 0 : i32
        %dma_start3A_63 = tpu.memref_slice %arg6[%dma_start3A, %dma_start3A_61, %dma_start3A_62] : memref<3x16x2048xf32, #tpu.memory_space<vmem>> -> memref<1x16x2048xf32, #tpu.memory_space<vmem>>
        %dma_start3A_64 = tpu.memref_squeeze %dma_start3A_63 : memref<1x16x2048xf32, #tpu.memory_space<vmem>> -> memref<16x2048xf32, #tpu.memory_space<vmem>>
        %dma_start3A_65 = arith.constant 0 : i32
        %dma_start3A_66 = tpu.memref_slice %arg5[%add3A_24, %dma_start3A_65] : memref<100x16xi32, #tpu.memory_space<vmem>> -> memref<1x16xi32, #tpu.memory_space<vmem>>
        %dma_start3A_67 = tpu.memref_squeeze %dma_start3A_66 : memref<1x16xi32, #tpu.memory_space<vmem>> -> memref<16xi32, #tpu.memory_space<vmem>>
        %dma_start3A_68 = arith.constant 0 : i32
        %dma_start3A_69 = arith.constant 0 : i32
        %dma_start3A_70 = tpu.memref_slice %arg3[%dma_start3A_68, %dma_start3A_69] : memref<92547x2048xf32, #tpu.memory_space<hbm>> -> memref<92547x2048xf32, #tpu.memory_space<hbm>>
        %dma_start3A_71 = tpu.memref_slice %arg7[%dma_start3A_60] : memref<3x!tpu.dma_semaphore, #tpu.memory_space<semaphore_mem>> -> memref<1x!tpu.dma_semaphore, #tpu.memory_space<semaphore_mem>>
        %dma_start3A_72 = tpu.memref_squeeze %dma_start3A_71 : memref<1x!tpu.dma_semaphore, #tpu.memory_space<semaphore_mem>> -> memref<!tpu.dma_semaphore, #tpu.memory_space<semaphore_mem>>
        tpu.enqueue_indirect_dma source(%dma_start3A_70 : memref<92547x2048xf32, #tpu.memory_space<hbm>>) target(%dma_start3A_64 : memref<16x2048xf32, #tpu.memory_space<vmem>>) offsets(%dma_start3A_67 : memref<16xi32, #tpu.memory_space<vmem>>) semaphore(%dma_start3A_72 : memref<!tpu.dma_semaphore, #tpu.memory_space<semaphore_mem>>)
      } else {
      }
      %mul3A_38 = arith.constant 3 : i32
      %mul3A_39 = arith.muli %scan3A_8, %mul3A_38 : i32
      %add3A_40 = arith.constant 2 : i32
      %add3A_41 = arith.addi %mul3A_39, %add3A_40 : i32
      %ge3A_42 = arith.constant 2 : i32
      %ge3A_43 = arith.cmpi sge, %add3A_41, %ge3A_42 : i32
      %lt3A_44 = arith.constant 102 : i32
      %lt3A_45 = arith.cmpi slt, %add3A_41, %lt3A_44 : i32
      %and3A_46 = arith.andi %ge3A_43, %lt3A_45 : i1
      %convert_element_type3A_47 = arith.extui %and3A_46 : i1 to i32
      %cond3A_48 = arith.constant 0 : i32
      %cond3A_49 = arith.cmpi ne, %convert_element_type3A_47, %cond3A_48 : i32
      scf.if %cond3A_49 {
        %sub3A = arith.constant 2 : i32
        %sub3A_55 = arith.subi %add3A_41, %sub3A : i32
        %dma_wait3A = arith.constant 0 : i32
        %dma_wait3A_56 = arith.constant 0 : i32
        %dma_wait3A_57 = arith.constant 0 : i32
        %dma_wait3A_58 = arith.constant 0 : i32
        %dma_wait3A_59 = tpu.memref_slice %arg6[%dma_wait3A, %dma_wait3A_57, %dma_wait3A_58] : memref<3x16x2048xf32, #tpu.memory_space<vmem>> -> memref<1x16x2048xf32, #tpu.memory_space<vmem>>
        %dma_wait3A_60 = tpu.memref_squeeze %dma_wait3A_59 : memref<1x16x2048xf32, #tpu.memory_space<vmem>> -> memref<16x2048xf32, #tpu.memory_space<vmem>>
        %dma_wait3A_61 = arith.constant 0 : i32
        %dma_wait3A_62 = tpu.memref_slice %arg5[%sub3A_55, %dma_wait3A_61] : memref<100x16xi32, #tpu.memory_space<vmem>> -> memref<1x16xi32, #tpu.memory_space<vmem>>
        %dma_wait3A_63 = tpu.memref_squeeze %dma_wait3A_62 : memref<1x16xi32, #tpu.memory_space<vmem>> -> memref<16xi32, #tpu.memory_space<vmem>>
        %dma_wait3A_64 = arith.constant 0 : i32
        %dma_wait3A_65 = arith.constant 0 : i32
        %dma_wait3A_66 = tpu.memref_slice %arg3[%dma_wait3A_64, %dma_wait3A_65] : memref<92547x2048xf32, #tpu.memory_space<hbm>> -> memref<92547x2048xf32, #tpu.memory_space<hbm>>
        %dma_wait3A_67 = tpu.memref_slice %arg7[%dma_wait3A_56] : memref<3x!tpu.dma_semaphore, #tpu.memory_space<semaphore_mem>> -> memref<1x!tpu.dma_semaphore, #tpu.memory_space<semaphore_mem>>
        %dma_wait3A_68 = tpu.memref_squeeze %dma_wait3A_67 : memref<1x!tpu.dma_semaphore, #tpu.memory_space<semaphore_mem>> -> memref<!tpu.dma_semaphore, #tpu.memory_space<semaphore_mem>>
        tpu.wait_indirect_dma semaphore(%dma_wait3A_68 : memref<!tpu.dma_semaphore, #tpu.memory_space<semaphore_mem>>) src(%dma_wait3A_66 : memref<92547x2048xf32, #tpu.memory_space<hbm>>) dst(%dma_wait3A_60 : memref<16x2048xf32, #tpu.memory_space<vmem>>)
        %mul3A_69 = arith.constant 16 : i32
        %mul3A_70 = arith.muli %sub3A_55, %mul3A_69 : i32
        %add3A_71 = arith.addi %mul3A_2, %mul3A_70 : i32
        %dma_start3A = arith.constant 0 : i32
        %dma_start3A_72 = arith.constant 0 : i32
        %dma_start3A_73 = arith.constant 0 : i32
        %dma_start3A_74 = arith.constant 0 : i32
        %dma_start3A_75 = tpu.memref_slice %arg6[%dma_start3A, %dma_start3A_73, %dma_start3A_74] : memref<3x16x2048xf32, #tpu.memory_space<vmem>> -> memref<1x16x2048xf32, #tpu.memory_space<vmem>>
        %dma_start3A_76 = tpu.memref_squeeze %dma_start3A_75 : memref<1x16x2048xf32, #tpu.memory_space<vmem>> -> memref<16x2048xf32, #tpu.memory_space<vmem>>
        %dma_start3A_77 = arith.constant 0 : i32
        %dma_start3A_78 = tpu.memref_slice %arg4[%add3A_71, %dma_start3A_77] : memref<51200x2048xf32, #tpu.memory_space<hbm>> -> memref<16x2048xf32, #tpu.memory_space<hbm>>
        %dma_start3A_79 = tpu.memref_slice %arg8[%dma_start3A_72] : memref<3x!tpu.dma_semaphore, #tpu.memory_space<semaphore_mem>> -> memref<1x!tpu.dma_semaphore, #tpu.memory_space<semaphore_mem>>
        %dma_start3A_80 = tpu.memref_squeeze %dma_start3A_79 : memref<1x!tpu.dma_semaphore, #tpu.memory_space<semaphore_mem>> -> memref<!tpu.dma_semaphore, #tpu.memory_space<semaphore_mem>>
        %dma_start3A_81 = arith.constant 0 : i32
        %dma_start3A_82 = tpu.memref_slice %arg4[%add3A_71, %dma_start3A_81] : memref<51200x2048xf32, #tpu.memory_space<hbm>> -> memref<16x2048xf32, #tpu.memory_space<hbm>>
        %dma_start3A_83 = arith.constant 0 : i32
        %dma_start3A_84 = arith.constant 0 : i32
        %dma_start3A_85 = tpu.memref_slice %arg6[%dma_start3A, %dma_start3A_83, %dma_start3A_84] : memref<3x16x2048xf32, #tpu.memory_space<vmem>> -> memref<1x16x2048xf32, #tpu.memory_space<vmem>>
        %dma_start3A_86 = tpu.memref_squeeze %dma_start3A_85 : memref<1x16x2048xf32, #tpu.memory_space<vmem>> -> memref<16x2048xf32, #tpu.memory_space<vmem>>
        tpu.enqueue_dma source(%dma_start3A_86 : memref<16x2048xf32, #tpu.memory_space<vmem>>) target(%dma_start3A_82 : memref<16x2048xf32, #tpu.memory_space<hbm>>) target_semaphore(%dma_start3A_80 : memref<!tpu.dma_semaphore, #tpu.memory_space<semaphore_mem>>)
      } else {
      }
      %lt3A_50 = arith.constant 100 : i32
      %lt3A_51 = arith.cmpi slt, %add3A_41, %lt3A_50 : i32
      %convert_element_type3A_52 = arith.extui %lt3A_51 : i1 to i32
      %cond3A_53 = arith.constant 0 : i32
      %cond3A_54 = arith.cmpi ne, %convert_element_type3A_52, %cond3A_53 : i32
      scf.if %cond3A_54 {
        %ge3A_55 = arith.constant 3 : i32
        %ge3A_56 = arith.cmpi sge, %add3A_41, %ge3A_55 : i32
        %convert_element_type3A_57 = arith.extui %ge3A_56 : i1 to i32
        %cond3A_58 = arith.constant 0 : i32
        %cond3A_59 = arith.cmpi ne, %convert_element_type3A_57, %cond3A_58 : i32
        scf.if %cond3A_59 {
          %sub3A = arith.constant 3 : i32
          %sub3A_73 = arith.subi %add3A_41, %sub3A : i32
          %mul3A_74 = arith.constant 16 : i32
          %mul3A_75 = arith.muli %sub3A_73, %mul3A_74 : i32
          %add3A_76 = arith.addi %mul3A_2, %mul3A_75 : i32
          %dma_wait3A = arith.constant 2 : i32
          %dma_wait3A_77 = arith.constant 2 : i32
          %dma_wait3A_78 = arith.constant 0 : i32
          %dma_wait3A_79 = arith.constant 0 : i32
          %dma_wait3A_80 = tpu.memref_slice %arg6[%dma_wait3A, %dma_wait3A_78, %dma_wait3A_79] : memref<3x16x2048xf32, #tpu.memory_space<vmem>> -> memref<1x16x2048xf32, #tpu.memory_space<vmem>>
          %dma_wait3A_81 = tpu.memref_squeeze %dma_wait3A_80 : memref<1x16x2048xf32, #tpu.memory_space<vmem>> -> memref<16x2048xf32, #tpu.memory_space<vmem>>
          %dma_wait3A_82 = arith.constant 0 : i32
          %dma_wait3A_83 = tpu.memref_slice %arg4[%add3A_76, %dma_wait3A_82] : memref<51200x2048xf32, #tpu.memory_space<hbm>> -> memref<16x2048xf32, #tpu.memory_space<hbm>>
          %dma_wait3A_84 = tpu.memref_slice %arg8[%dma_wait3A_77] : memref<3x!tpu.dma_semaphore, #tpu.memory_space<semaphore_mem>> -> memref<1x!tpu.dma_semaphore, #tpu.memory_space<semaphore_mem>>
          %dma_wait3A_85 = tpu.memref_squeeze %dma_wait3A_84 : memref<1x!tpu.dma_semaphore, #tpu.memory_space<semaphore_mem>> -> memref<!tpu.dma_semaphore, #tpu.memory_space<semaphore_mem>>
          %dma_wait3A_86 = arith.constant 0 : i32
          %dma_wait3A_87 = tpu.memref_slice %arg4[%add3A_76, %dma_wait3A_86] : memref<51200x2048xf32, #tpu.memory_space<hbm>> -> memref<16x2048xf32, #tpu.memory_space<hbm>>
          %dma_wait3A_88 = arith.constant 0 : i32
          %dma_wait3A_89 = arith.constant 0 : i32
          %dma_wait3A_90 = tpu.memref_slice %arg6[%dma_wait3A, %dma_wait3A_88, %dma_wait3A_89] : memref<3x16x2048xf32, #tpu.memory_space<vmem>> -> memref<1x16x2048xf32, #tpu.memory_space<vmem>>
          %dma_wait3A_91 = tpu.memref_squeeze %dma_wait3A_90 : memref<1x16x2048xf32, #tpu.memory_space<vmem>> -> memref<16x2048xf32, #tpu.memory_space<vmem>>
          tpu.wait_dma2 semaphore(%dma_wait3A_85 : memref<!tpu.dma_semaphore, #tpu.memory_space<semaphore_mem>>) src(%dma_wait3A_91 : memref<16x2048xf32, #tpu.memory_space<vmem>>) dst(%dma_wait3A_87 : memref<16x2048xf32, #tpu.memory_space<hbm>>)
        } else {
        }
        %dma_start3A = arith.constant 2 : i32
        %dma_start3A_60 = arith.constant 2 : i32
        %dma_start3A_61 = arith.constant 0 : i32
        %dma_start3A_62 = arith.constant 0 : i32
        %dma_start3A_63 = tpu.memref_slice %arg6[%dma_start3A, %dma_start3A_61, %dma_start3A_62] : memref<3x16x2048xf32, #tpu.memory_space<vmem>> -> memref<1x16x2048xf32, #tpu.memory_space<vmem>>
        %dma_start3A_64 = tpu.memref_squeeze %dma_start3A_63 : memref<1x16x2048xf32, #tpu.memory_space<vmem>> -> memref<16x2048xf32, #tpu.memory_space<vmem>>
        %dma_start3A_65 = arith.constant 0 : i32
        %dma_start3A_66 = tpu.memref_slice %arg5[%add3A_41, %dma_start3A_65] : memref<100x16xi32, #tpu.memory_space<vmem>> -> memref<1x16xi32, #tpu.memory_space<vmem>>
        %dma_start3A_67 = tpu.memref_squeeze %dma_start3A_66 : memref<1x16xi32, #tpu.memory_space<vmem>> -> memref<16xi32, #tpu.memory_space<vmem>>
        %dma_start3A_68 = arith.constant 0 : i32
        %dma_start3A_69 = arith.constant 0 : i32
        %dma_start3A_70 = tpu.memref_slice %arg3[%dma_start3A_68, %dma_start3A_69] : memref<92547x2048xf32, #tpu.memory_space<hbm>> -> memref<92547x2048xf32, #tpu.memory_space<hbm>>
        %dma_start3A_71 = tpu.memref_slice %arg7[%dma_start3A_60] : memref<3x!tpu.dma_semaphore, #tpu.memory_space<semaphore_mem>> -> memref<1x!tpu.dma_semaphore, #tpu.memory_space<semaphore_mem>>
        %dma_start3A_72 = tpu.memref_squeeze %dma_start3A_71 : memref<1x!tpu.dma_semaphore, #tpu.memory_space<semaphore_mem>> -> memref<!tpu.dma_semaphore, #tpu.memory_space<semaphore_mem>>
        tpu.enqueue_indirect_dma source(%dma_start3A_70 : memref<92547x2048xf32, #tpu.memory_space<hbm>>) target(%dma_start3A_64 : memref<16x2048xf32, #tpu.memory_space<vmem>>) offsets(%dma_start3A_67 : memref<16xi32, #tpu.memory_space<vmem>>) semaphore(%dma_start3A_72 : memref<!tpu.dma_semaphore, #tpu.memory_space<semaphore_mem>>)
      } else {
      }
    }
    %scan3A_7 = arith.constant 34 : i32
    return
  }
}

</mosaic_0001>

<sc_bundles>
// kernel: kernel.3.cloned.1.call-start
scs
__scs_entry_jumppad:
0x0: {  	(pc) =	sbr.rel $0x88, $3  }
0x1: {  	(tag) =	ssettag $0x0;
	lr =	simm.s32 $0x1  }
0x2: {  	[smem:$0x3F9F] =	sst lr;
	_ =	strace $0xD0000000  }
0x3: {  	_ = 	snop  }
0x4: {  	_ = 	snop  }
0x5: {  	_ = 	snop  }
0x6: {  	_ = 	snop  }
0x7: {  	_ = 	snop  }
__scs_overlays_trampoline_lowered:
0x8: {  	[smem:$0x3FAE] =	sst s0  }
0x9: {  	[smem:$0x3FAF] =	sst s1  }
0xa: {  	[smem:$0x3FB0] =	sst s2  }
0xb: {  	[smem:$0x3FB1] =	sst s3  }
0xc: {  	[smem:$0x3FB2] =	sst s4  }
0xd: {  	[smem:$0x3FB3] =	sst s5  }
0xe: {  	[smem:$0x3FB4] =	sst s6  }
0xf: {  	[smem:$0x3FB5] =	sst s7  }
0x10: {  	[smem:$0x3FB6] =	sst s8  }
0x11: {  	[smem:$0x3FB7] =	sst s9;
	s0 =	simm.s32 @!p0 $0x0  }
0x12: {  	s1 =	sld [smem:$0x3F9D];
	s0 =	simm.s32 @p0 $0x1  }
0x13: {  	[smem:$0x3FB8] =	sst s0;
	s0 =	simm.s32 @!p1 $0x0  }
0x14: {  	s2 =	sld [smem:$0x3F9C];
	s0 =	simm.s32 @p1 $0x1  }
0x15: {  	[smem:$0x3FB9] =	sst s0;
	s0 =	simm.s32 @!p2 $0x0  }
0x16: {  	s3 =	sld [smem:$0x3FDB];
	s0 =	simm.s32 @p2 $0x1  }
0x17: {  	s4 =	simm.s32 $0x1BF5;
	[smem:$0x3FBB] =	sst s0  }
0x18: {  	s0 =	sld [smem:$0x3F9E];
	_ =	swait.ge [sflag:s4], $0x0  }
0x19: {  	s7 =	sld [smem:$0x3F9F]  }
0x1a: {  	s8 =	sadd.s32 $0xFFFFE003, lr  }
0x1b: {  	s9 =	sadd.s32 $0xFFFFFEF7, lr;
	s5 =	simm.s32 $0xFFFFFFFF;
	p2 =	slt.u32 s8, $0xFFFFF086  }
0x1c: {  	p1 =	slt.u32 s9, $0xF7A;
	s5 =	simm.s32 @!p2 $0x0  }
0x1d: {  	s5 =	simm.s32 @p1 $0x1;
	p0 =	seq.s32 s7, s2  }
0x1e: {  	s7 =	smul.u32 @!p0 $0xF7A, s2;
	p2 =	seq.s32 @!p0 s5, $0x0  }
0x1f: {  	s9 =	smul.u32 $0xF7A, s1;
	s8 =	simm.s32 @!p0 $0x1BF5;
	p2 =	por !p2, p0  }
0x20: {  	[sflag:s8] =	ssyncset.s32 @!p0 $0xFFFFF086;
	s6 =	sadd.s32 @!p0 s3, s7;
	s7 =	simm.s32 @!p0 $0x108  }
0x21: {  	s3 =	sadd.s32 s3, s9;
	s6 =	sadd.s32 @!p0 $0x88, s6;
	s7 =	simm.s32 @p2 $0x1082  }
0x22: {  	[simem:s7], [sflag:s8] =	dma.local @!p0 [hbm:s6], $0xF7A  }
0x23: {  	s9 =	sor.u32 $0xD0000000, s2;
	s6 =	simm.s32 $0x108;
	_ =	swait.ge @!p0 [sflag:s8], $0x0  }
0x24: {  	s3 =	sadd.s32 $0x88, s3;
	s6 =	simm.s32 @!p1 $0x1082;
	[sflag:s4] =	ssyncset.s32 $0xFFFFF086  }
0x25: {  	[simem:s6], [sflag:s4] =	dma.local [hbm:s3], $0xF7A  }
0x26: {  	[smem:$0x3F9F] =	sst s1;
	(tag) =	ssettag s2;
	_ =	strace s9  }
0x27: {  	s1 =	sld [smem:$0x3FAF]  }
0x28: {  	s2 =	sld [smem:$0x3FB0]  }
0x29: {  	s4 =	sld [smem:$0x3FB2]  }
0x2a: {  	p0 =	seq.s32 s5, $0x0;
	s5 =	sld [smem:$0x3FB3]  }
0x2b: {  	s6 =	sld [smem:$0x3FB4]  }
0x2c: {  	s7 =	sld [smem:$0x3FB5]  }
0x2d: {  	s3 =	simm.s32 $0x108;
	s8 =	sld [smem:$0x3FB6]  }
0x2e: {  	s3 =	simm.s32 @!p0 $0x1082;
	s9 =	sld [smem:$0x3FB7]  }
0x2f: {  	lr =	sadd.s32 s0, s3;
	s0 =	sld [smem:$0x3FAE]  }
0x30: {  	s3 =	sld [smem:$0x3FB1]  }
0x31: {  	[smem:$0x3FBA] =	sst s10  }
0x32: {  	s10 =	sld [smem:$0x3FB8];
	_ =	sdelay $0x3  }
0x33: {  	p0 =	seq.s32 s10, $0x1;
	s10 =	sld [smem:$0x3FBA];
	_ =	sdelay $0x3  }
0x34: {  	[smem:$0x3FBA] =	sst s10  }
0x35: {  	s10 =	sld [smem:$0x3FB9];
	_ =	sdelay $0x3  }
0x36: {  	p1 =	seq.s32 s10, $0x1;
	s10 =	sld [smem:$0x3FBA];
	_ =	sdelay $0x3  }
0x37: {  	[smem:$0x3FBA] =	sst s10  }
0x38: {  	s10 =	sld [smem:$0x3FBB]  }
0x39: {  	_ = 	snop;
	(pc) =	sbr.ind lr, $3  }
0x3a: {  	_ = 	snop  }
0x3b: {  	_ = 	snop  }
0x3c: {  	p2 =	seq.s32 s10, $0x1;
	s10 =	sld [smem:$0x3FBA]  }
0x3d: {  	_ =	shalt  }
0x3e: {  	_ =	shalt  }
0x3f: {  	_ =	shalt  }
0x40: {  	_ =	shalt  }
0x41: {  	_ =	shalt  }
0x42: {  	_ =	shalt  }
0x43: {  	_ =	shalt  }
0x44: {  	_ =	shalt  }
0x45: {  	_ =	shalt  }
0x46: {  	_ =	shalt  }
0x47: {  	_ =	shalt  }
0x48: {  	_ =	shalt  }
0x49: {  	_ =	shalt  }
0x4a: {  	_ =	shalt  }
0x4b: {  	_ =	shalt  }
0x4c: {  	_ =	shalt  }
0x4d: {  	_ =	shalt  }
0x4e: {  	_ =	shalt  }
0x4f: {  	_ =	shalt  }
0x50: {  	_ =	shalt  }
0x51: {  	_ =	shalt  }
0x52: {  	_ =	shalt  }
0x53: {  	_ =	shalt  }
0x54: {  	_ =	shalt  }
0x55: {  	_ =	shalt  }
0x56: {  	_ =	shalt  }
0x57: {  	_ =	shalt  }
0x58: {  	_ =	shalt  }
0x59: {  	_ =	shalt  }
0x5a: {  	_ =	shalt  }
0x5b: {  	_ =	shalt  }
0x5c: {  	_ =	shalt  }
0x5d: {  	_ =	shalt  }
0x5e: {  	_ =	shalt  }
0x5f: {  	_ =	shalt  }
0x60: {  	_ =	shalt  }
0x61: {  	_ =	shalt  }
0x62: {  	_ =	shalt  }
0x63: {  	_ =	shalt  }
0x64: {  	_ =	shalt  }
0x65: {  	_ =	shalt  }
0x66: {  	_ =	shalt  }
0x67: {  	_ =	shalt  }
0x68: {  	_ =	shalt  }
0x69: {  	_ =	shalt  }
0x6a: {  	_ =	shalt  }
0x6b: {  	_ =	shalt  }
0x6c: {  	_ =	shalt  }
0x6d: {  	_ =	shalt  }
0x6e: {  	_ =	shalt  }
0x6f: {  	_ =	shalt  }
0x70: {  	_ =	shalt  }
0x71: {  	_ =	shalt  }
0x72: {  	_ =	shalt  }
0x73: {  	_ =	shalt  }
0x74: {  	_ =	shalt  }
0x75: {  	_ =	shalt  }
0x76: {  	_ =	shalt  }
0x77: {  	_ =	shalt  }
0x78: {  	_ =	shalt  }
0x79: {  	_ =	shalt  }
0x7a: {  	_ =	shalt  }
0x7b: {  	_ =	shalt  }
0x7c: {  	_ =	shalt  }
0x7d: {  	_ =	shalt  }
0x7e: {  	_ =	shalt  }
0x7f: {  	_ =	shalt  }
0x80: {  	_ =	shalt  }
0x81: {  	_ =	shalt  }
0x82: {  	_ =	shalt  }
0x83: {  	_ =	shalt  }
0x84: {  	_ =	shalt  }
0x85: {  	_ =	shalt  }
0x86: {  	_ =	shalt  }
0x87: {  	_ =	shalt  }
.Lfunc_end0:
.L_simem_size_0:
called_computation.1_lowered:
.L_overlay_start_0:
0x88: {  	s2 =	sld [smem:$0x3FD9]  }
0x89: {  	s3 =	sld [smem:$0x3FFE];
	_ =	sdelay $0x1  }
0x8a: {  	s1 =	srdreg.scid  }
0x8b: {  	s0 =	sand.u32 $0x1, s1  }
0x8c: {  	s17 =	sshll.u32 s0, $0xA;
	s2 =	sadd.s32 s3, s2  }
0x8d: {  	s2 =	sadd.s32 s2, s17  }
0x8e: {  	[smem:$0x3FC6] =	sst s2  }
0x8f: {  	_ = 	snop  }
0x90: {  	s2 =	sld [smem:$0x3FC8]  }
0x91: {  	s18 =	sld [smem:$0x3FD0];
	(tm) =	ssettm $0x1  }
0x92: {  	s4 =	sld [smem:$0x3FFB];
	_ =	sdelay $0x3  }
0x93: {  	_ =	strace s4  }
0x94: {  	s4 =	sld [smem:$0x3FFC];
	_ =	sdelay $0x3  }
0x95: {  	_ =	strace s4  }
0x96: {  	s4 =	sld [smem:$0x3FFD];
	_ =	sdelay $0x3  }
0x97: {  	_ =	strace s4  }
0x98: {  	_ =	strace $0x8FFFFFFF  }
0x99: {  	s19 =	sld [smem:$0x3FDB];
	_ =	sdelay $0x1  }
0x9a: {  	s5 =	simm.s32 $_scs_section_size  }
0x9b: {  	s6 =	simm.s32 $_size__tile_overlayer_lowered;
	s7 =	simm.s32 $_tile_overlayer_lowered  }
0x9c: {  	s22 =	simm.s32 $0x1BFF;
	s21 =	sshll.u32 s7, $0x1;
	s4 =	sadd.s32 s5, s19  }
0x9d: {  	s8 =	simm.s32 $0x0;
	s20 =	sshll.u32 s6, $0x1;
	s6 =	sadd.s32 s21, s4  }
0x9e: {  	[timem:s8], [sflag:s22] =	dma.local [hbm:s6], s20  }
0x9f: {  	_ =	swait.ge [sflag:s22], s20  }
0xa0: {  	s5 =	ssub.s32 $0x0, s20;
	[sflag:s22] =	ssyncset.done $0x0  }
0xa1: {  	[sflag:s22] =	ssyncadd.s32 s5;
	_ =	sdelay $0x1  }
0xa2: {  	s23 =	simm.s32 $0x1B8B  }
0xa3: {  	_ =	swait.ge [sflag:s23], $0x1  }
0xa4: {  	[sflag:s23] =	ssyncset.done $0x0  }
0xa5: {  	s25 =	simm.s32 $0x1B8E;
	s24 =	sld [smem:$0x3FFE];
	[sflag:s23] =	ssyncadd.s32 $0xFFFFFFFF  }
0xa6: {  	s26 =	simm.s32 $execute0_lowered;
	[smem:$0x3FD2] =	sst s25  }
0xa7: {  	s6 =	sshll.u32 s26, $0x1;
	_ =	strace $0x80000046;
	[dreg:$0x1] =	wrdreg $0xFFFFFFFF  }
0xa8: {  	s28 =	simm.s32 $_size_execute0_lowered;
	s4 =	sadd.s32 s4, s6;
	[dreg:$0x0] =	wrdreg $0x0  }
0xa9: {  	s6 =	sshll.u32 s28, $0x1;
	[dreg:$0x2] =	wrdreg s4  }
0xaa: {  	[dreg:$0x3] =	wrdreg s6  }
0xab: {  	[dreg:$0x4] =	wrdreg $0xC0  }
0xac: {  	_ =	task [dreg:s8], $0x5FFFF  }
0xad: {  	[dreg:$0x1] =	wrdreg $0xFFFFFFFF  }
0xae: {  	[dreg:$0x0] =	wrdreg $0x60  }
0xaf: {  	[dreg:$0x2] =	wrdreg s24  }
0xb0: {  	[dreg:$0x3] =	wrdreg s2  }
0xb1: {  	[dreg:$0x4] =	wrdreg s18  }
0xb2: {  	[dreg:$0x5] =	wrdreg $0x9  }
0xb3: {  	_ =	task.clear_ibuf [dreg:s8], $0x6FFFF;
	_ =	strace $0x90000046  }
0xb4: {  	s29 =	simm.s32 $0x9;
	_ =	strace $0x80000048  }
0xb5: {  	_ =	swait.ge [sflag:s29], $0x1  }
0xb6: {  	[sflag:s29] =	ssyncadd.s32 $0xFFFFFFFF  }
0xb7: {  	_ =	strace $0x90000048  }
0xb8: {  	_ =	sfence  }
0xb9: {  	s30 =	sld [smem:$0x0];
	_ =	sdelay $0x2  }
0xba: {  	s31 =	sshll.u32 s1, $0xD;
	s1 =	sshrl.u32 s1, $0x2  }
0xbb: {  	s3 =	sand.u32 $0x4000, s31;
	s1 =	sadd.s32 s1, s30  }
0xbc: {  	s0 =	sor.u32 s3, s0;
	s1 =	sshll.u32 s1, $0x11  }
0xbd: {  	s0 =	sor.u32 s1, s0  }
0xbe: {  	s0 =	sadd.s32 $0x8F2B, s0  }
0xbf: {  	[sflag:s0] =	ssyncadd.remote.s32 $0x1  }
0xc0: {  	_ =	sfence.sel $0xFFFF  }
0xc1: {  	[dreg:$0x0] =	wrdreg $0xFFFFFFFF;
	(pc) =	sbr.abs _section_cstart, $3  }
0xc2: {  	[dreg:$0x1] =	wrdreg $0xFFFFFFFF  }
0xc3: {  	_ =	task.clear_ibuf [dreg:s8], $0x2FFFF;
	_ =	strace $0x9FFFFFFF  }
0xc4: {  	(tm) =	ssettm $0x7FFFFFFF  }
0xc5: {  	_ =	shalt  }
tec
execute0_lowered:
.L_overlay_start_1:
0x0: {  	(tag) =	ssettag $0x1  }
0x1: {  	s0 =	rddreg [dreg:$0x0]  }
0x2: {  	s2 =	rddreg [dreg:$0x1];
	s1 =	srdreg.scid  }
0x3: {  	s9 =	stileid.u32;
	s4 =	rddreg [dreg:$0x2]  }
0x4: {  	s15 =	simm.s32 $0x3400;
	s18 =	simm.s32 $0x16400;
	s19 =	simm.s32 $0x16C00  }
0x5: {  	s20 =	simm.s32 $0x17400;
	s21 =	simm.s32 $0x17C00;
	s22 =	simm.s32 $0x18400  }
0x6: {  	s23 =	simm.s32 $0x18C00;
	s24 =	simm.s32 $0x19400;
	s25 =	simm.s32 $0x19C00  }
0x7: {  	s26 =	simm.s32 $0x1A400;
	s28 =	simm.s32 $0x1AC00;
	s29 =	simm.s32 $0x6  }
0x8: {  	s30 =	simm.s32 $0x5;
	s1 =	sand.u32 $0x1, s1;
	s3 =	sshll.u32 s9, $0x1  }
0x9: {  	s8 =	sadd.s32 $0x400, s2;
	s31 =	smul.u32 $0xC8000, s9;
	s9 =	sadd.s32 $0x500, s2  }
0xa: {  	s10 =	sadd.s32 $0x600, s2;
	s11 =	sadd.s32 $0x700, s2;
	s5 =	sor.u32 s1, s3  }
0xb: {  	s3 =	simm.s32 $0x0;
	s6 =	ssub.s32 $0x2, s1;
	s1 =	smul.u32 $0x64000, s1  }
0xc: {  	s5 =	smul.u32 $0x680, s5;
	[smem:$0x7FF] =	sst s3;
	s7 =	sshrl.u32 s6, $0x1  }
.Ltmp0:
0xd: {  	_ =	strace $0x80000047;
	s12 =	ssub.s32 s6, s7;
	(pc) =	sbr.rel .LBB2_1-.Ltmp0, $4  }
0xe: {  	s6 =	sadd.s32 $0x200, s2;
	s0 =	sadd.s32 s5, s0;
	s12 =	smax.u32 s12, $0x1  }
0xf: {  	v2 =	vlaneseq.u32;
	s7 =	sadd.s32 $0x300, s2;
	s0 =	sadd.s32 $0x800, s0;
	[dreg:$0x5] =	wrdreg s12  }
0x10: {  	vm0 =	vmmov $0xffff;
	v1 =	vshrl.u32 v2, $0x3;
	s5 =	sadd.s32 $0x100, s2;
	[dreg:$0x4] =	wrdreg s0;
	s0 =	sadd.s32 s31, s4  }
0x11: {  	v0 =	vand.u32 $0x7, v2;
	v2 =	vor.u32 $0x8, v2;
	v1 =	vmul.u32 $0x8, v1;
	s4 =	simm.s32 $0x0;
	s13 =	sadd.s32 s1, s0;
	s0 =	simm.s32 $0x1  }
.LBB2_10:
0x12: {  	s4 =	rddreg [dreg:$0x6]  }
0x13: {  	s1 =	rddreg [dreg:$0x5];
	s4 =	sadd.s32 $0x1, s4  }
0x14: {  	p0 =	sne.s32 s4, s1  }
.Ltmp1:
0x15: {  	_ = 	snop;
	(pc) =	sbr.rel @!p0 .LBB2_11-.Ltmp1, $1  }
0x16: {  	_ =	sdelay $0x3  }
.LBB2_1:
0x17: {  	[dreg:$0x6] =	wrdreg s4  }
.Ltmp2:
0x18: {  	s1 =	rddreg [dreg:$0x4];
	s17 =	simm.s32 $0x7;
	(pc) =	sbr.rel .LBB2_2-.Ltmp2, $4  }
0x19: {  	[tilespmem:s3], [sflag:$0x7] =	stream.linear.gather [hbm4b:s1+s3], $0x3200, $0x38;
	[tilespmem:$0x1B400] =	vst v63  }
0x1a: {  	_ =	swait.ge [sflag:s17], $0x3200  }
0x1b: {  	s31 =	simm.s32 $0x100;
	s4 =	simm.s32 $0xFFFFFFFE;
	[sflag:s17] =	ssyncset.done $0x0  }
0x1c: {  	s12 =	simm.s32 $0x0;
	s14 =	simm.s32 $0x0;
	[sflag:s17] =	ssyncadd.s32 $0xFFFFCE00  }
.LBB2_9:
0x1d: {  	v3 =	vld [tilespmem:s31+$0x0];
	_ =	sdelay $0x4  }
0x1e: {  	v4 =	vshll.u32 v3, $0x4  }
0x1f: {  	v3 =	vand.u32 $0x7, v3;
	v4 =	vand.u32 $0xFFFFFF80, v4  }
0x20: {  	v3 =	vor.u32 v3, v4  }
0x21: {  	v4 =	vperm.xlane v3, v0;
	_ =	sdelay $0x1  }
0x22: {  	v4 =	vadd.s32 v1, v4;
	_ =	sdelay $0x3  }
0x23: {  	s1 =	simm.s32 $0x13400  }
0x24: {  	[tilespmem:s1], [sflag:$0x3] =	stream.indirect_vreg.gather [hbm4b:s2+s3], $0x80, v4, vm0, $0xb8;
	[tilespmem:$0x1B400] =	vst v63  }
0x25: {  	s17 =	simm.s32 $0x13C00  }
0x26: {  	[tilespmem:s17], [sflag:$0x3] =	stream.indirect_vreg.gather [hbm4b:s5+s3], $0x80, v4, vm0, $0xb8;
	[tilespmem:$0x1B400] =	vst v63  }
0x27: {  	s16 =	simm.s32 $0x14400  }
0x28: {  	[tilespmem:s16], [sflag:$0x3] =	stream.indirect_vreg.gather [hbm4b:s6+s3], $0x80, v4, vm0, $0xb8;
	[tilespmem:$0x1B400] =	vst v63  }
0x29: {  	s17 =	simm.s32 $0x14C00  }
0x2a: {  	[tilespmem:s17], [sflag:$0x3] =	stream.indirect_vreg.gather [hbm4b:s7+s3], $0x80, v4, vm0, $0xb8;
	[tilespmem:$0x1B400] =	vst v63  }
0x2b: {  	s16 =	simm.s32 $0x15400  }
0x2c: {  	[tilespmem:s16], [sflag:$0x3] =	stream.indirect_vreg.gather [hbm4b:s8+s3], $0x80, v4, vm0, $0xb8;
	[tilespmem:$0x1B400] =	vst v63  }
0x2d: {  	v3 =	vperm.xlane v3, v2;
	s17 =	simm.s32 $0x15C00  }
0x2e: {  	[tilespmem:s17], [sflag:$0x3] =	stream.indirect_vreg.gather [hbm4b:s9+s3], $0x80, v4, vm0, $0xb8;
	[tilespmem:$0x1B400] =	vst v63  }
0x2f: {  	v3 =	vadd.s32 v1, v3  }
0x30: {  	[tilespmem:s18], [sflag:$0x3] =	stream.indirect_vreg.gather [hbm4b:s10+s3], $0x80, v4, vm0, $0xb8;
	[tilespmem:$0x1B400] =	vst v63  }
0x31: {  	_ = 	snop  }
0x32: {  	[tilespmem:s19], [sflag:$0x3] =	stream.indirect_vreg.gather [hbm4b:s11+s3], $0x80, v4, vm0, $0xb8;
	[tilespmem:$0x1B400] =	vst v63  }
0x33: {  	_ = 	snop  }
0x34: {  	[tilespmem:s20], [sflag:$0x3] =	stream.indirect_vreg.gather [hbm4b:s2+s3], $0x80, v3, vm0, $0xb8;
	[tilespmem:$0x1B400] =	vst v63  }
0x35: {  	_ = 	snop  }
0x36: {  	[tilespmem:s21], [sflag:$0x3] =	stream.indirect_vreg.gather [hbm4b:s5+s3], $0x80, v3, vm0, $0xb8;
	[tilespmem:$0x1B400] =	vst v63  }
0x37: {  	_ = 	snop  }
0x38: {  	[tilespmem:s22], [sflag:$0x3] =	stream.indirect_vreg.gather [hbm4b:s6+s3], $0x80, v3, vm0, $0xb8;
	[tilespmem:$0x1B400] =	vst v63  }
0x39: {  	_ = 	snop  }
0x3a: {  	[tilespmem:s23], [sflag:$0x3] =	stream.indirect_vreg.gather [hbm4b:s7+s3], $0x80, v3, vm0, $0xb8;
	[tilespmem:$0x1B400] =	vst v63  }
0x3b: {  	s12 =	sadd.s32 $0x3000, s12  }
0x3c: {  	[tilespmem:s24], [sflag:$0x3] =	stream.indirect_vreg.gather [hbm4b:s8+s3], $0x80, v3, vm0, $0xb8;
	[tilespmem:$0x1B400] =	vst v63  }
0x3d: {  	p0 =	sne.s32 s12, $0x66000  }
0x3e: {  	[tilespmem:s25], [sflag:$0x3] =	stream.indirect_vreg.gather [hbm4b:s9+s3], $0x80, v3, vm0, $0xb8;
	[tilespmem:$0x1B400] =	vst v63  }
.Ltmp3:
0x3f: {  	_ = 	snop;
	(pc) =	sbr.rel @!p0 .LBB2_10-.Ltmp3, $4  }
0x40: {  	_ = 	snop  }
0x41: {  	[tilespmem:s26], [sflag:$0x3] =	stream.indirect_vreg.gather [hbm4b:s10+s3], $0x80, v3, vm0, $0xb8;
	[tilespmem:$0x1B400] =	vst v63  }
0x42: {  	s14 =	sadd.s32 $0x1, s14;
	s31 =	sadd.s32 $0x180, s31;
	s4 =	sadd.s32 $0x3, s4  }
0x43: {  	[tilespmem:s28], [sflag:$0x3] =	stream.indirect_vreg.gather [hbm4b:s11+s3], $0x80, v3, vm0, $0xb8;
	[tilespmem:$0x1B400] =	vst v63  }
.LBB2_2:
0x44: {  	p0 =	sgt.u32 s4, $0x63  }
0x45: {  	s1 =	simm.s32 @!p0 $0x2  }
0x46: {  	_ =	swait.ge @!p0 [sflag:s1], $0x8000  }
0x47: {  	[sflag:s1] =	ssyncset.done @!p0 $0x0  }
0x48: {  	[sflag:s1] =	ssyncadd.s32 @!p0 $0xFFFF8000;
	s1 =	sadd.s32 @!p0 s12, s13  }
0x49: {  	s16 =	simm.s32 @!p0 $0x0;
	s17 =	simm.s32 @!p0 $0xB400;
	s1 =	sadd.s32 @!p0 $0xFFFFE000, s1  }
0x4a: {  	[hbm4b:s1+s16] =	stream.linear.scatter @!p0 [tilespmem:s17], [sflag:$0x5], $0x8000, $0x38;
	[tilespmem:$0x1B400] =	vst v63  }
0x4b: {  	p0 =	seq.s32 s12, $0x0  }
0x4c: {  	s1 =	simm.s32 @!p0 $0x4  }
0x4d: {  	_ =	swait.ge @!p0 [sflag:s1], $0x8000  }
0x4e: {  	[sflag:s1] =	ssyncset.done @!p0 $0x0  }
0x4f: {  	[sflag:s1] =	ssyncadd.s32 @!p0 $0xFFFF8000  }
0x50: {  	v3 =	vld [tilespmem:s31+$0xFFFFFF00];
	_ =	sdelay $0x4  }
0x51: {  	v4 =	vshll.u32 v3, $0x4  }
0x52: {  	v3 =	vand.u32 $0x7, v3;
	v4 =	vand.u32 $0xFFFFFF80, v4  }
0x53: {  	v3 =	vor.u32 v3, v4  }
0x54: {  	v4 =	vperm.xlane v3, v0;
	_ =	sdelay $0x1  }
0x55: {  	v4 =	vadd.s32 v1, v4;
	_ =	sdelay $0x4  }
0x56: {  	[tilespmem:s15], [sflag:$0x1] =	stream.indirect_vreg.gather [hbm4b:s2+s3], $0x80, v4, vm0, $0xb8;
	[tilespmem:$0x1B400] =	vst v63  }
0x57: {  	s16 =	simm.s32 $0x3C00  }
0x58: {  	[tilespmem:s16], [sflag:$0x1] =	stream.indirect_vreg.gather [hbm4b:s5+s3], $0x80, v4, vm0, $0xb8;
	[tilespmem:$0x1B400] =	vst v63  }
0x59: {  	s17 =	simm.s32 $0x4400  }
0x5a: {  	[tilespmem:s17], [sflag:$0x1] =	stream.indirect_vreg.gather [hbm4b:s6+s3], $0x80, v4, vm0, $0xb8;
	[tilespmem:$0x1B400] =	vst v63  }
0x5b: {  	s16 =	simm.s32 $0x4C00  }
0x5c: {  	[tilespmem:s16], [sflag:$0x1] =	stream.indirect_vreg.gather [hbm4b:s7+s3], $0x80, v4, vm0, $0xb8;
	[tilespmem:$0x1B400] =	vst v63  }
0x5d: {  	s17 =	simm.s32 $0x5400  }
0x5e: {  	[tilespmem:s17], [sflag:$0x1] =	stream.indirect_vreg.gather [hbm4b:s8+s3], $0x80, v4, vm0, $0xb8;
	[tilespmem:$0x1B400] =	vst v63  }
0x5f: {  	v3 =	vperm.xlane v3, v2;
	s16 =	simm.s32 $0x5C00  }
0x60: {  	[tilespmem:s16], [sflag:$0x1] =	stream.indirect_vreg.gather [hbm4b:s9+s3], $0x80, v4, vm0, $0xb8;
	[tilespmem:$0x1B400] =	vst v63  }
0x61: {  	v3 =	vadd.s32 v1, v3;
	s17 =	simm.s32 $0x6400  }
0x62: {  	[tilespmem:s17], [sflag:$0x1] =	stream.indirect_vreg.gather [hbm4b:s10+s3], $0x80, v4, vm0, $0xb8;
	[tilespmem:$0x1B400] =	vst v63  }
0x63: {  	s16 =	simm.s32 $0x6C00  }
0x64: {  	[tilespmem:s16], [sflag:$0x1] =	stream.indirect_vreg.gather [hbm4b:s11+s3], $0x80, v4, vm0, $0xb8;
	[tilespmem:$0x1B400] =	vst v63  }
0x65: {  	s17 =	simm.s32 $0x7400  }
0x66: {  	[tilespmem:s17], [sflag:$0x1] =	stream.indirect_vreg.gather [hbm4b:s2+s3], $0x80, v3, vm0, $0xb8;
	[tilespmem:$0x1B400] =	vst v63  }
0x67: {  	s16 =	simm.s32 $0x7C00  }
0x68: {  	[tilespmem:s16], [sflag:$0x1] =	stream.indirect_vreg.gather [hbm4b:s5+s3], $0x80, v3, vm0, $0xb8;
	[tilespmem:$0x1B400] =	vst v63  }
0x69: {  	s17 =	simm.s32 $0x8400  }
0x6a: {  	[tilespmem:s17], [sflag:$0x1] =	stream.indirect_vreg.gather [hbm4b:s6+s3], $0x80, v3, vm0, $0xb8;
	[tilespmem:$0x1B400] =	vst v63  }
0x6b: {  	s16 =	simm.s32 $0x8C00  }
0x6c: {  	[tilespmem:s16], [sflag:$0x1] =	stream.indirect_vreg.gather [hbm4b:s7+s3], $0x80, v3, vm0, $0xb8;
	[tilespmem:$0x1B400] =	vst v63  }
0x6d: {  	s17 =	simm.s32 $0x9400  }
0x6e: {  	[tilespmem:s17], [sflag:$0x1] =	stream.indirect_vreg.gather [hbm4b:s8+s3], $0x80, v3, vm0, $0xb8;
	[tilespmem:$0x1B400] =	vst v63  }
0x6f: {  	s16 =	simm.s32 $0x9C00  }
0x70: {  	[tilespmem:s16], [sflag:$0x1] =	stream.indirect_vreg.gather [hbm4b:s9+s3], $0x80, v3, vm0, $0xb8;
	[tilespmem:$0x1B400] =	vst v63  }
0x71: {  	s17 =	simm.s32 $0xA400  }
0x72: {  	[tilespmem:s17], [sflag:$0x1] =	stream.indirect_vreg.gather [hbm4b:s10+s3], $0x80, v3, vm0, $0xb8;
	[tilespmem:$0x1B400] =	vst v63  }
0x73: {  	s17 =	sadd.s32 $0x1, s4  }
0x74: {  	s16 =	simm.s32 $0xAC00;
	p0 =	sgt.u32 s17, $0x63  }
0x75: {  	[tilespmem:s16], [sflag:$0x1] =	stream.indirect_vreg.gather [hbm4b:s11+s3], $0x80, v3, vm0, $0xb8;
	[tilespmem:$0x1B400] =	vst v63  }
0x76: {  	s1 =	simm.s32 @!p0 $0x3  }
0x77: {  	_ =	swait.ge @!p0 [sflag:s1], $0x8000  }
0x78: {  	[sflag:s1] =	ssyncset.done @!p0 $0x0  }
0x79: {  	[sflag:s1] =	ssyncadd.s32 @!p0 $0xFFFF8000;
	s1 =	sadd.s32 @!p0 s12, s13  }
0x7a: {  	s16 =	simm.s32 @!p0 $0x0;
	s17 =	simm.s32 @!p0 $0x13400;
	s1 =	sadd.s32 @!p0 $0xFFFFF000, s1  }
0x7b: {  	[hbm4b:s1+s16] =	stream.linear.scatter @!p0 [tilespmem:s17], [sflag:$0x6], $0x8000, $0x38;
	[tilespmem:$0x1B400] =	vst v63  }
0x7c: {  	p0 =	seq.s32 s14, $0x0  }
.Ltmp4:
0x7d: {  	_ = 	snop;
	(pc) =	sbr.rel @p0 .LBB2_5-.Ltmp4, $1  }
0x7e: {  	_ =	sdelay $0x3  }
0x7f: {  	p1 =	seq.s32 s14, $0x21  }
.Ltmp5:
0x80: {  	_ = 	snop;
	(pc) =	sbr.rel @p1 .LBB2_6-.Ltmp5, $1  }
0x81: {  	_ =	sdelay $0x3  }
0x82: {  	_ =	swait.ge [sflag:s30], $0x8000  }
0x83: {  	[sflag:s30] =	ssyncset.done $0x0  }
0x84: {  	[sflag:s30] =	ssyncadd.s32 $0xFFFF8000  }
.LBB2_5:
0x85: {  	v3 =	vld [tilespmem:s31+$0xFFFFFF80];
	_ =	sdelay $0x4  }
0x86: {  	v4 =	vshll.u32 v3, $0x4  }
0x87: {  	v3 =	vand.u32 $0x7, v3;
	v4 =	vand.u32 $0xFFFFFF80, v4  }
0x88: {  	v3 =	vor.u32 v3, v4  }
0x89: {  	v4 =	vperm.xlane v3, v0;
	_ =	sdelay $0x1  }
0x8a: {  	v4 =	vadd.s32 v1, v4;
	_ =	sdelay $0x3  }
0x8b: {  	s1 =	simm.s32 $0xB400  }
0x8c: {  	[tilespmem:s1], [sflag:$0x2] =	stream.indirect_vreg.gather [hbm4b:s2+s3], $0x80, v4, vm0, $0xb8;
	[tilespmem:$0x1B400] =	vst v63  }
0x8d: {  	s17 =	simm.s32 $0xBC00  }
0x8e: {  	[tilespmem:s17], [sflag:$0x2] =	stream.indirect_vreg.gather [hbm4b:s5+s3], $0x80, v4, vm0, $0xb8;
	[tilespmem:$0x1B400] =	vst v63  }
0x8f: {  	s16 =	simm.s32 $0xC400  }
0x90: {  	[tilespmem:s16], [sflag:$0x2] =	stream.indirect_vreg.gather [hbm4b:s6+s3], $0x80, v4, vm0, $0xb8;
	[tilespmem:$0x1B400] =	vst v63  }
0x91: {  	s17 =	simm.s32 $0xCC00  }
0x92: {  	[tilespmem:s17], [sflag:$0x2] =	stream.indirect_vreg.gather [hbm4b:s7+s3], $0x80, v4, vm0, $0xb8;
	[tilespmem:$0x1B400] =	vst v63  }
0x93: {  	s16 =	simm.s32 $0xD400  }
0x94: {  	[tilespmem:s16], [sflag:$0x2] =	stream.indirect_vreg.gather [hbm4b:s8+s3], $0x80, v4, vm0, $0xb8;
	[tilespmem:$0x1B400] =	vst v63  }
0x95: {  	v3 =	vperm.xlane v3, v2;
	s17 =	simm.s32 $0xDC00  }
0x96: {  	[tilespmem:s17], [sflag:$0x2] =	stream.indirect_vreg.gather [hbm4b:s9+s3], $0x80, v4, vm0, $0xb8;
	[tilespmem:$0x1B400] =	vst v63  }
0x97: {  	v3 =	vadd.s32 v1, v3;
	s16 =	simm.s32 $0xE400  }
0x98: {  	[tilespmem:s16], [sflag:$0x2] =	stream.indirect_vreg.gather [hbm4b:s10+s3], $0x80, v4, vm0, $0xb8;
	[tilespmem:$0x1B400] =	vst v63  }
0x99: {  	s17 =	simm.s32 $0xEC00  }
0x9a: {  	[tilespmem:s17], [sflag:$0x2] =	stream.indirect_vreg.gather [hbm4b:s11+s3], $0x80, v4, vm0, $0xb8;
	[tilespmem:$0x1B400] =	vst v63  }
0x9b: {  	s16 =	simm.s32 $0xF400  }
0x9c: {  	[tilespmem:s16], [sflag:$0x2] =	stream.indirect_vreg.gather [hbm4b:s2+s3], $0x80, v3, vm0, $0xb8;
	[tilespmem:$0x1B400] =	vst v63  }
0x9d: {  	s17 =	simm.s32 $0xFC00  }
0x9e: {  	[tilespmem:s17], [sflag:$0x2] =	stream.indirect_vreg.gather [hbm4b:s5+s3], $0x80, v3, vm0, $0xb8;
	[tilespmem:$0x1B400] =	vst v63  }
0x9f: {  	s16 =	simm.s32 $0x10400  }
0xa0: {  	[tilespmem:s16], [sflag:$0x2] =	stream.indirect_vreg.gather [hbm4b:s6+s3], $0x80, v3, vm0, $0xb8;
	[tilespmem:$0x1B400] =	vst v63  }
0xa1: {  	s17 =	simm.s32 $0x10C00  }
0xa2: {  	[tilespmem:s17], [sflag:$0x2] =	stream.indirect_vreg.gather [hbm4b:s7+s3], $0x80, v3, vm0, $0xb8;
	[tilespmem:$0x1B400] =	vst v63  }
0xa3: {  	s16 =	simm.s32 $0x11400  }
0xa4: {  	[tilespmem:s16], [sflag:$0x2] =	stream.indirect_vreg.gather [hbm4b:s8+s3], $0x80, v3, vm0, $0xb8;
	[tilespmem:$0x1B400] =	vst v63  }
0xa5: {  	s17 =	simm.s32 $0x11C00  }
0xa6: {  	[tilespmem:s17], [sflag:$0x2] =	stream.indirect_vreg.gather [hbm4b:s9+s3], $0x80, v3, vm0, $0xb8;
	[tilespmem:$0x1B400] =	vst v63  }
0xa7: {  	s16 =	simm.s32 $0x12400  }
0xa8: {  	[tilespmem:s16], [sflag:$0x2] =	stream.indirect_vreg.gather [hbm4b:s10+s3], $0x80, v3, vm0, $0xb8;
	[tilespmem:$0x1B400] =	vst v63  }
0xa9: {  	s17 =	simm.s32 $0x12C00  }
0xaa: {  	[tilespmem:s17], [sflag:$0x2] =	stream.indirect_vreg.gather [hbm4b:s11+s3], $0x80, v3, vm0, $0xb8;
	[tilespmem:$0x1B400] =	vst v63  }
.LBB2_6:
.Ltmp6:
0xab: {  	(pc) =	sbr.rel @p0 .LBB2_9-.Ltmp6, $4  }
0xac: {  	_ =	swait.ge [sflag:s0], $0x8000  }
0xad: {  	[sflag:s0] =	ssyncset.done $0x0  }
0xae: {  	s1 =	sadd.s32 s12, s13;
	[sflag:s0] =	ssyncadd.s32 $0xFFFF8000  }
0xaf: {  	[hbm4b:s1+s3] =	stream.linear.scatter [tilespmem:s15], [sflag:$0x4], $0x8000, $0x38;
	[tilespmem:$0x1B400] =	vst v63  }
0xb0: {  	p0 =	seq.s32 s14, $0x21  }
.Ltmp7:
0xb1: {  	_ = 	snop;
	(pc) =	sbr.rel @p0 .LBB2_10-.Ltmp7, $1  }
0xb2: {  	_ =	sdelay $0x3  }
.Ltmp8:
0xb3: {  	(pc) =	sbr.rel .LBB2_9-.Ltmp8, $4  }
0xb4: {  	_ = 	snop  }
0xb5: {  	_ =	swait.ge [sflag:s29], $0x8000  }
0xb6: {  	[sflag:s29] =	ssyncset.done $0x0  }
0xb7: {  	[sflag:s29] =	ssyncadd.s32 $0xFFFF8000  }
.LBB2_11:
0xb8: {  	_ =	sfence.sel $0x180000  }
0xb9: {  	[bflag:$0x0] =	sbarrier.arrive $0xFFFF  }
0xba: {  	_ =	strace $0x90000047  }
0xbb: {  	s0 =	stileid.u32;
	[bflag:$0x2] =	sbarrier.arrive $0xFFFF  }
0xbc: {  	p0 =	sne.s32 s0, $0x0;
	s0 =	rddreg [dreg:$0x3]  }
0xbd: {  	s0 =	sadd.s32 @!p0 $0x100000, s0  }
0xbe: {  	[sflag:s0] =	ssyncadd.tile.s32 @!p0 $0x1;
	_ =	shalt  }
.Lfunc_end2:
_tile_overlayer_lowered:
.L_overlay_start_2:
0xbf: {  	(tag) =	ssettag $0x2  }
0xc0: {  	s0 =	rddreg [dreg:$0x0];
	s2 =	stileid.u32  }
0xc1: {  	s1 =	rddreg [dreg:$0x1];
	p0 =	sne.s32 s2, $0x0  }
0xc2: {  	s3 =	rddreg [dreg:$0x2];
	[bflag:$0x3] =	sbarrier.arrive $0xFFFF;
	s2 =	simm.s32 @!p0 $0x1C07  }
0xc3: {  	[timem:s3], [sflag:s2] =	dma.local @!p0 [hbm:s0], s1  }
0xc4: {  	s0 =	simm.s32 @!p0 $0x7  }
0xc5: {  	_ =	swait.ge @!p0 [sflag:s0], s1  }
0xc6: {  	s1 =	ssub.s32 @!p0 $0x0, s1;
	[sflag:s0] =	ssyncset.done @!p0 $0x0  }
0xc7: {  	[sflag:s0] =	ssyncadd.s32 @!p0 s1  }
0xc8: {  	[bflag:$0x3] =	sbarrier.arrive $0xFFFF  }
0xc9: {  	_ =	shalt  }

// kernel: sparse-core-data-format-call.cloned.1.call-start
scs
called_computation_lowered:
.L_overlay_start_0:
0x0: {  	s2 =	sld [smem:$0x3FD9]  }
0x1: {  	s3 =	sld [smem:$0x3FFE];
	_ =	sdelay $0x1  }
0x2: {  	s1 =	srdreg.scid  }
0x3: {  	s0 =	sand.u32 $0x1, s1  }
0x4: {  	s18 =	sshll.u32 s0, $0xA;
	s2 =	sadd.s32 s3, s2  }
0x5: {  	s2 =	sadd.s32 s2, s18  }
0x6: {  	[smem:$0x3FC6] =	sst s2  }
0x7: {  	_ = 	snop  }
0x8: {  	s2 =	sld [smem:$0x3FD0];
	(tm) =	ssettm $0x1  }
0x9: {  	s19 =	sld [smem:$0x3FFB];
	_ =	sdelay $0x3  }
0xa: {  	_ =	strace s19  }
0xb: {  	s3 =	sld [smem:$0x3FFC];
	_ =	sdelay $0x3  }
0xc: {  	_ =	strace s3  }
0xd: {  	s3 =	sld [smem:$0x3FFD];
	_ =	sdelay $0x3  }
0xe: {  	_ =	strace s3  }
0xf: {  	_ =	strace $0x8FFFFFFF  }
0x10: {  	s20 =	sld [smem:$0x3FDB];
	_ =	sdelay $0x1  }
0x11: {  	s4 =	simm.s32 $_scs_section_size  }
0x12: {  	s5 =	simm.s32 $_size__tile_overlayer_lowered;
	s6 =	simm.s32 $_tile_overlayer_lowered  }
0x13: {  	s23 =	simm.s32 $0x1BFF;
	s22 =	sshll.u32 s6, $0x1;
	s3 =	sadd.s32 s4, s20  }
0x14: {  	s7 =	simm.s32 $0x0;
	s21 =	sshll.u32 s5, $0x1;
	s5 =	sadd.s32 s22, s3  }
0x15: {  	[timem:s7], [sflag:s23] =	dma.local [hbm:s5], s21  }
0x16: {  	_ =	swait.ge [sflag:s23], s21  }
0x17: {  	s4 =	ssub.s32 $0x0, s21;
	[sflag:s23] =	ssyncset.done $0x0  }
0x18: {  	[sflag:s23] =	ssyncadd.s32 s4;
	_ =	sdelay $0x1  }
0x19: {  	s24 =	simm.s32 $0x1B8B  }
0x1a: {  	_ =	swait.ge [sflag:s24], $0x1  }
0x1b: {  	[sflag:s24] =	ssyncset.done $0x0  }
0x1c: {  	s26 =	simm.s32 $0x1B8E;
	s25 =	sld [smem:$0x3FFE];
	[sflag:s24] =	ssyncadd.s32 $0xFFFFFFFF  }
0x1d: {  	s27 =	simm.s32 $execute0_lowered;
	[smem:$0x3FD2] =	sst s26  }
0x1e: {  	s5 =	sshll.u32 s27, $0x1;
	_ =	strace $0x80000049;
	[dreg:$0x1] =	wrdreg $0xFFFFFFFF  }
0x1f: {  	s28 =	simm.s32 $_size_execute0_lowered;
	s3 =	sadd.s32 s3, s5;
	[dreg:$0x0] =	wrdreg $0x0  }
0x20: {  	s5 =	sshll.u32 s28, $0x1;
	[dreg:$0x2] =	wrdreg s3  }
0x21: {  	[dreg:$0x3] =	wrdreg s5  }
0x22: {  	[dreg:$0x4] =	wrdreg $0xC0  }
0x23: {  	_ =	task [dreg:s7], $0x5FFFF  }
0x24: {  	[dreg:$0x1] =	wrdreg $0xFFFFFFFF  }
0x25: {  	[dreg:$0x0] =	wrdreg $0x60  }
0x26: {  	[dreg:$0x2] =	wrdreg s25  }
0x27: {  	[dreg:$0x3] =	wrdreg s2  }
0x28: {  	[dreg:$0x4] =	wrdreg $0x9  }
0x29: {  	_ =	task.clear_ibuf [dreg:s7], $0x5FFFF;
	_ =	strace $0x90000049  }
0x2a: {  	s29 =	simm.s32 $0x9;
	_ =	strace $0x8000004B  }
0x2b: {  	_ =	swait.ge [sflag:s29], $0x1  }
0x2c: {  	[sflag:s29] =	ssyncadd.s32 $0xFFFFFFFF  }
0x2d: {  	_ =	strace $0x9000004B  }
0x2e: {  	_ =	sfence  }
0x2f: {  	s30 =	sld [smem:$0x0];
	_ =	sdelay $0x2  }
0x30: {  	s31 =	sshll.u32 s1, $0xD;
	s1 =	sshrl.u32 s1, $0x2  }
0x31: {  	s3 =	sand.u32 $0x4000, s31;
	s1 =	sadd.s32 s1, s30  }
0x32: {  	s0 =	sor.u32 s3, s0;
	s1 =	sshll.u32 s1, $0x11  }
0x33: {  	s0 =	sor.u32 s1, s0  }
0x34: {  	s0 =	sadd.s32 $0x8F2B, s0  }
0x35: {  	[sflag:s0] =	ssyncadd.remote.s32 $0x1  }
0x36: {  	_ =	sfence.sel $0xFFFF  }
0x37: {  	[dreg:$0x0] =	wrdreg $0xFFFFFFFF;
	(pc) =	sbr.abs _section_cstart, $3  }
0x38: {  	[dreg:$0x1] =	wrdreg $0xFFFFFFFF  }
0x39: {  	_ =	task.clear_ibuf [dreg:s7], $0x2FFFF;
	_ =	strace $0x9FFFFFFF  }
0x3a: {  	(tm) =	ssettm $0x7FFFFFFF  }
0x3b: {  	_ =	shalt  }
tec
execute0_lowered:
.L_overlay_start_1:
0x0: {  	(tag) =	ssettag $0x1  }
0x1: {  	s0 =	stileid.u32;
	s1 =	srdreg.scid  }
0x2: {  	s2 =	sshll.u32 s0, $0x7;
	s3 =	sshll.u32 s0, $0x4;
	s4 =	sshll.u32 s1, $0x8  }
0x3: {  	s7 =	rddreg [dreg:$0x0];
	s1 =	sand.u32 $0x380, s2;
	s29 =	sor.u32 s3, s4  }
0x4: {  	s8 =	simm.s32 $0x2;
	s2 =	sand.u32 $0x180, s29;
	s30 =	ssub.s32 $0x400, s1  }
0x5: {  	s15 =	simm.s32 $0x0;
	s31 =	sand.u32 $0x380, s30;
	s5 =	ssub.s32 $0x800, s2  }
0x6: {  	s4 =	simm.s32 $0x1;
	p0 =	sne.s32 s31, $0x0;
	s6 =	sand.u32 $0x180, s5  }
0x7: {  	s4 =	simm.s32 @!p0 $0x0;
	p0 =	sne.s32 s6, $0x0;
	s6 =	simm.s32 $0x1  }
0x8: {  	s3 =	sshrl.u32 s30, $0xA;
	s5 =	sshrl.u32 s5, $0x9;
	s6 =	simm.s32 @!p0 $0x0  }
0x9: {  	s9 =	simm.s32 $0x4000;
	s3 =	sadd.s32 s4, s3;
	s5 =	sadd.s32 s6, s5  }
0xa: {  	s10 =	simm.s32 $0x0;
	s16 =	simm.s32 $0x0;
	s6 =	smul.u32 s5, s3  }
.Ltmp0:
0xb: {  	s17 =	simm.s32 $0x0;
	s4 =	rddreg [dreg:$0x1];
	(pc) =	sbr.rel .LBB1_1-.Ltmp0, $4  }
0xc: {  	s12 =	simm.s32 $0x0;
	s14 =	simm.s32 $0x0;
	s3 =	rddreg [dreg:$0x2]  }
0xd: {  	_ =	strace $0x8000004A;
	s5 =	simm.s32 $0x1;
	s6 =	smul.u32 $0x32, s6  }
0xe: {  	s7 =	sadd.s32 $0x800, s7;
	s13 =	smov.u32 s1;
	[sflag:s5] =	ssyncpa.u1 $0x0  }
0xf: {  	s11 =	smov.u32 s2;
	[sflag:s8] =	ssyncpa.u1 $0x0;
	s8 =	sor.u32 $0x1, s6  }
.LBB1_4:
0x10: {  	_ =	sdelay $0x3  }
0x11: {  	[tilespmem:v0+s20+$0xFFFFFFD0 ss:$0x1] =	vst.idx.msk $0xffff, v6  }
0x12: {  	v56 =	vld.idx.msk [tilespmem:v1+s19+$0x0 ss:$0x1], $0xffff;
	[tilespmem:v0+s20+$0xFFFFFFE0 ss:$0x1] =	vst.idx.msk $0xffff, v4  }
0x13: {  	v57 =	vld.idx.msk [tilespmem:v1+s19+$0xFFFFFF90 ss:$0x1], $0xffff;
	[tilespmem:v0+s20+$0xFFFFFFF0 ss:$0x1] =	vst.idx.msk $0xffff, v2  }
0x14: {  	v58 =	vld.idx.msk [tilespmem:v1+s19+$0xFFFFFFA0 ss:$0x1], $0xffff;
	[tilespmem:v0+s20+$0x0 ss:$0x1] =	vst.idx.msk $0xffff, v3  }
0x15: {  	v59 =	vld.idx.msk [tilespmem:v1+s19+$0xFFFFFFB0 ss:$0x1], $0xffff;
	[tilespmem:v0+s20+$0x10 ss:$0x1] =	vst.idx.msk $0xffff, v5  }
0x16: {  	v60 =	vld.idx.msk [tilespmem:v1+s19+$0xFFFFFFC0 ss:$0x1], $0xffff;
	[tilespmem:v0+s20+$0x20 ss:$0x1] =	vst.idx.msk $0xffff, v7  }
0x17: {  	v61 =	vld.idx.msk [tilespmem:v1+s19+$0xFFFFFFD0 ss:$0x1], $0xffff;
	[tilespmem:v0+s19+$0x30 ss:$0x1] =	vst.idx.msk $0xffff, v56  }
0x18: {  	v62 =	vld.idx.msk [tilespmem:v1+s19+$0xFFFFFFE0 ss:$0x1], $0xffff;
	s27 =	sand.u32 $0x78, s15;
	s21 =	sshll.u32 s17, $0xB;
	s28 =	sshll.u32 s17, $0x7;
	[tilespmem:v0+s19+$0xFFFFFFC0 ss:$0x1] =	vst.idx.msk $0xffff, v57  }
0x19: {  	v63 =	vld.idx.msk [tilespmem:v1+s19+$0xFFFFFFF0 ss:$0x1], $0xffff;
	s22 =	sshll.u32 s15, $0x3;
	s16 =	sshll.u32 s16, $0x12;
	s21 =	sand.u32 $0x1FC000, s21;
	[tilespmem:v0+s19+$0xFFFFFFD0 ss:$0x1] =	vst.idx.msk $0xffff, v58  }
0x1a: {  	s31 =	sand.u32 $0x7, s15;
	s17 =	sand.u32 $0x380, s28;
	s29 =	sadd.s32 s21, s22;
	[tilespmem:v0+s19+$0xFFFFFFE0 ss:$0x1] =	vst.idx.msk $0xffff, v59  }
0x1b: {  	s30 =	sand.u32 $0x400, s22;
	s17 =	sor.u32 s17, s27;
	s20 =	sshrl.u32 s29, $0x3;
	[tilespmem:v0+s19+$0xFFFFFFF0 ss:$0x1] =	vst.idx.msk $0xffff, v60  }
0x1c: {  	s16 =	sadd.s32 s4, s16;
	s17 =	sor.u32 s30, s17;
	s20 =	sand.u32 $0x3FF00, s20;
	[tilespmem:v0+s19+$0x0 ss:$0x1] =	vst.idx.msk $0xffff, v61  }
0x1d: {  	s15 =	sshll.u32 s31, $0x12;
	s17 =	sshrl.u32 s17, $0x3;
	[tilespmem:v0+s19+$0x10 ss:$0x1] =	vst.idx.msk $0xffff, v62;
	s16 =	sadd.s32 s20, s16  }
0x1e: {  	s15 =	sor.u32 $0x400, s15;
	[tilespmem:v0+s19+$0x20 ss:$0x1] =	vst.idx.msk $0xffff, v63;
	s16 =	sadd.s32 s17, s16  }
0x1f: {  	[hbm4b:s16+s15] =	stream.strided.scatter [tilespmem:s18], [sflag:$0x2], $0x4000, s9, s15, $0x38;
	[tilespmem:$0x10000] =	vst v63  }
.LBB1_5:
0x20: {  	s18 =	sadd.s32 $0x200, s11  }
0x21: {  	s15 =	simm.s32 $0x1;
	p1 =	sgt.s32 s18, $0x7FF  }
0x22: {  	s15 =	simm.s32 @!p1 $0x0  }
0x23: {  	s19 =	sadd.s32 s15, s12  }
0x24: {  	s21 =	smov.u32 s13;
	s15 =	sadd.s32 $0x400, s13;
	p2 =	sgt.s32 s19, $0x31  }
0x25: {  	s21 =	smov.u32 @p2 s15  }
0x26: {  	p0 =	slt.u32 s14, $0x2;
	s18 =	smov.u32 @p1 s2;
	p1 =	sgt.s32 s21, $0x3FF  }
0x27: {  	s20 =	simm.s32 @!p0 $0x2;
	s21 =	smov.u32 @p1 s1;
	p1 =	sne.s32 s14, s8  }
.Ltmp1:
0x28: {  	_ =	swait.ge @!p0 [sflag:s20], $0x4000;
	(pc) =	sbr.rel @!p1 .LBB1_6-.Ltmp1, $4  }
0x29: {  	s16 =	smov.u32 s12;
	[sflag:s20] =	ssyncset.done @!p0 $0x0  }
0x2a: {  	s17 =	smov.u32 s13;
	s10 =	sadd.s32 $0x4000, s10;
	[sflag:s20] =	ssyncadd.s32 @!p0 $0xFFFFC000  }
0x2b: {  	s19 =	simm.s32 @p2 $0x0;
	s15 =	smov.u32 s11;
	s11 =	smov.u32 s18  }
0x2c: {  	s12 =	smov.u32 s19;
	s14 =	sadd.s32 $0x1, s14;
	s13 =	smov.u32 s21  }
.LBB1_1:
0x2d: {  	p0 =	sge.u32 s14, s6  }
0x2e: {  	s18 =	sshll.u32 @!p0 s12, $0xB  }
0x2f: {  	s19 =	sshll.u32 @!p0 s11, $0x3;
	s18 =	sand.u32 @!p0 $0xFFFFC000, s18  }
0x30: {  	s18 =	sadd.s32 @!p0 s18, s19  }
0x31: {  	s31 =	sadd.s32 $0xFFFFFFFF, s14;
	s22 =	sshll.u32 @!p0 s12, $0x7;
	s18 =	sshrl.u32 @!p0 s18, $0xB  }
0x32: {  	s23 =	sand.u32 @!p0 $0x78, s11;
	s22 =	sand.u32 @!p0 $0x380, s22;
	s21 =	smulhi.u32 @!p0 $0x4924925, s18  }
0x33: {  	s20 =	sxor.u32 @!p0 $0xFFFFFFFF, s14;
	s22 =	sor.u32 @!p0 s22, s23;
	s23 =	smul.u32 @!p0 $0x3800, s13  }
0x34: {  	s20 =	sshll.u32 @!p0 s20, $0xE;
	s19 =	sand.u32 @!p0 $0x400, s19;
	s21 =	smul.u32 @!p0 $0x38, s21  }
0x35: {  	s20 =	sand.u32 @!p0 $0x4000, s20;
	s19 =	sor.u32 @!p0 s19, s22;
	s22 =	sand.u32 @!p0 $0x7, s11  }
0x36: {  	s19 =	sshrl.u32 @!p0 s19, $0x3;
	s18 =	ssub.s32 @!p0 s18, s21;
	s21 =	sadd.s32 @!p0 s7, s23  }
0x37: {  	s18 =	sshll.u32 @!p0 s18, $0x8;
	s19 =	sadd.s32 @!p0 s19, s21;
	s21 =	sshll.u32 @!p0 s22, $0x12  }
0x38: {  	s18 =	sadd.s32 @!p0 s18, s19;
	s19 =	sor.u32 @!p0 $0x80, s21;
	s21 =	simm.s32 @!p0 $0x1C000  }
0x39: {  	[tilespmem:s20], [sflag:$0x1] =	stream.strided.gather @!p0 [hbm4b:s18+s19], $0x4000, s21, s19, $0x38;
	[tilespmem:$0x10000] =	vst v63  }
0x3a: {  	p0 =	sge.u32 s31, s6  }
.Ltmp2:
0x3b: {  	_ = 	snop;
	(pc) =	sbr.rel @p0 .LBB1_5-.Ltmp2, $1  }
0x3c: {  	_ =	sdelay $0x3  }
0x3d: {  	s18 =	sand.u32 $0x4000, s10  }
0x3e: {  	s19 =	sor.u32 $0x70, s18  }
0x3f: {  	v1 =	vmov s19;
	_ =	sdelay $0x1  }
0x40: {  	_ =	swait.ge [sflag:s5], $0x4000  }
0x41: {  	[sflag:s5] =	ssyncset.done $0x0  }
0x42: {  	s20 =	simm.s32 $0x0;
	[sflag:s5] =	ssyncadd.s32 $0xFFFFC000  }
0x43: {  	s18 =	sor.u32 $0x8040, s18;
	v7 =	vld.idx.msk [tilespmem:v1+s20+$0x0 ss:$0x1], $0xffff  }
0x44: {  	v0 =	vmov s18;
	v8 =	vld.idx.msk [tilespmem:v1+s20+$0xFFFFFF90 ss:$0x1], $0xffff  }
0x45: {  	v6 =	vld.idx.msk [tilespmem:v1+s20+$0xFFFFFFA0 ss:$0x1], $0xffff  }
0x46: {  	v4 =	vld.idx.msk [tilespmem:v1+s20+$0xFFFFFFB0 ss:$0x1], $0xffff  }
0x47: {  	v2 =	vld.idx.msk [tilespmem:v1+s20+$0xFFFFFFC0 ss:$0x1], $0xffff  }
0x48: {  	s31 =	sshll.u32 s14, $0xE;
	v3 =	vld.idx.msk [tilespmem:v1+s20+$0xFFFFFFD0 ss:$0x1], $0xffff  }
0x49: {  	s18 =	sand.u32 $0x4000, s31;
	v5 =	vld.idx.msk [tilespmem:v1+s20+$0xFFFFFFE0 ss:$0x1], $0xffff;
	[tilespmem:v0+s20+$0x30 ss:$0x1] =	vst.idx.msk $0xffff, v7  }
0x4a: {  	s21 =	simm.s32 $0x400;
	s19 =	simm.s32 $0x80;
	s18 =	sor.u32 $0x8000, s18;
	[tilespmem:v0+s20+$0xFFFFFFC0 ss:$0x1] =	vst.idx.msk $0xffff, v8;
	v7 =	vld.idx.msk [tilespmem:v1+s20+$0xFFFFFFF0 ss:$0x1], $0xffff  }
.LBB1_3:
0x4b: {  	p0 =	sne.s32 s21, $0xFE00;
	v8 =	vld.idx.msk [tilespmem:v1+s19+$0x0 ss:$0x1], $0xffff;
	[tilespmem:v0+s20+$0xFFFFFFD0 ss:$0x1] =	vst.idx.msk $0xffff, v6  }
0x4c: {  	v9 =	vld.idx.msk [tilespmem:v1+s19+$0xFFFFFF90 ss:$0x1], $0xffff;
	[tilespmem:v0+s20+$0xFFFFFFE0 ss:$0x1] =	vst.idx.msk $0xffff, v4  }
0x4d: {  	v6 =	vld.idx.msk [tilespmem:v1+s19+$0xFFFFFFA0 ss:$0x1], $0xffff;
	[tilespmem:v0+s20+$0xFFFFFFF0 ss:$0x1] =	vst.idx.msk $0xffff, v2  }
.Ltmp3:
0x4e: {  	v4 =	vld.idx.msk [tilespmem:v1+s19+$0xFFFFFFB0 ss:$0x1], $0xffff;
	[tilespmem:v0+s20+$0x0 ss:$0x1] =	vst.idx.msk $0xffff, v3;
	(pc) =	sbr.rel @p0 .LBB1_3-.Ltmp3, $4  }
0x4f: {  	v2 =	vld.idx.msk [tilespmem:v1+s19+$0xFFFFFFC0 ss:$0x1], $0xffff;
	[tilespmem:v0+s20+$0x10 ss:$0x1] =	vst.idx.msk $0xffff, v5  }
0x50: {  	v3 =	vld.idx.msk [tilespmem:v1+s19+$0xFFFFFFD0 ss:$0x1], $0xffff;
	[tilespmem:v0+s20+$0x20 ss:$0x1] =	vst.idx.msk $0xffff, v7;
	s20 =	smov.u32 s19  }
0x51: {  	v5 =	vld.idx.msk [tilespmem:v1+s20+$0xFFFFFFE0 ss:$0x1], $0xffff;
	[tilespmem:v0+s20+$0x30 ss:$0x1] =	vst.idx.msk $0xffff, v8  }
0x52: {  	s19 =	sshra.s32 s21, $0x2;
	s21 =	sadd.s32 $0x200, s21;
	[tilespmem:v0+s20+$0xFFFFFFC0 ss:$0x1] =	vst.idx.msk $0xffff, v9;
	v7 =	vld.idx.msk [tilespmem:v1+s20+$0xFFFFFFF0 ss:$0x1], $0xffff  }
.Ltmp4:
0x53: {  	_ = 	snop;
	(pc) =	sbr.rel .LBB1_4-.Ltmp4, $1  }
0x54: {  	_ =	sdelay $0x3  }
.LBB1_6:
0x55: {  	_ =	sfence.sel $0x180000  }
0x56: {  	s1 =	simm.s32 $0x1;
	[bflag:$0x0] =	sbarrier.arrive $0xFFFF  }
0x57: {  	s31 =	simm.s32 $0x2;
	[sflag:s1] =	ssyncpa.u1 $0x1  }
0x58: {  	[sflag:s31] =	ssyncpa.u1 $0x1  }
0x59: {  	p0 =	sne.s32 s0, $0x0;
	_ =	strace $0x9000004A  }
0x5a: {  	s0 =	sadd.s32 @!p0 $0x100000, s3;
	[bflag:$0x2] =	sbarrier.arrive $0xFFFF  }
0x5b: {  	[sflag:s0] =	ssyncadd.tile.s32 @!p0 $0x1;
	_ =	shalt  }
.Lfunc_end1:
_tile_overlayer_lowered:
.L_overlay_start_2:
0x5c: {  	(tag) =	ssettag $0x2  }
0x5d: {  	s0 =	rddreg [dreg:$0x0];
	s2 =	stileid.u32  }
0x5e: {  	s1 =	rddreg [dreg:$0x1];
	p0 =	sne.s32 s2, $0x0  }
0x5f: {  	s3 =	rddreg [dreg:$0x2];
	[bflag:$0x3] =	sbarrier.arrive $0xFFFF;
	s2 =	simm.s32 @!p0 $0x1C01  }
0x60: {  	[timem:s3], [sflag:s2] =	dma.local @!p0 [hbm:s0], s1  }
0x61: {  	s0 =	simm.s32 @!p0 $0x1  }
0x62: {  	_ =	swait.ge @!p0 [sflag:s0], s1  }
0x63: {  	s1 =	ssub.s32 @!p0 $0x0, s1;
	[sflag:s0] =	ssyncset.done @!p0 $0x0  }
0x64: {  	[sflag:s0] =	ssyncadd.s32 @!p0 s1  }
0x65: {  	[bflag:$0x3] =	sbarrier.arrive $0xFFFF  }
0x66: {  	_ =	shalt  }

</sc_bundles>
